<compile_context>
chip_gen: v7x
topology: tpu7x:2x2x1
jax: 0.10.2.dev20260603
libtpu: 0.0.44.dev20260713+nightly
codegen_flags: <defaults>
</compile_context>

<pallas_src>
import functools

import jax
import jax.numpy as jnp
from jax import lax
from jax.experimental import pallas as pl
from jax.experimental.pallas import tpu as pltpu
from jax.experimental.pallas import tpu_sc as plsc

_NBUF = 7
_CHUNK_ROWS = 16


@functools.cache
def _build(num_rows: int, row_start: int, table_rows: int, dim: int):
    info = plsc.get_sparse_core_info()
    nw = info.num_cores * info.num_subcores
    assert num_rows % (nw * _CHUNK_ROWS) == 0
    n_chunks = num_rows // (nw * _CHUNK_ROWS)
    mesh = plsc.VectorSubcoreMesh(core_axis_name="c", subcore_axis_name="s")

    @functools.partial(
        pl.kernel,
        out_type=jax.ShapeDtypeStruct((num_rows, dim), jnp.float32),
        mesh=mesh,
        scratch_types=[
            [pltpu.VMEM((_CHUNK_ROWS, dim), jnp.float32) for _ in range(_NBUF)],
            [pltpu.SemaphoreType.DMA for _ in range(_NBUF)],
            [pltpu.SemaphoreType.DMA for _ in range(_NBUF)],
        ],
    )
    def copy_kernel(table_hbm, out_hbm, bufs, rsems, wsems):
        wid = lax.axis_index("s") * info.num_cores + lax.axis_index("c")

        def chunk_row(i):
            return (wid + i * nw) * _CHUNK_ROWS

        def rd(i, b):
            src = table_hbm.at[pl.ds(row_start + chunk_row(i), _CHUNK_ROWS)]
            return pltpu.async_copy(src, bufs[b], rsems[b])

        def wr(i, b):
            dst = out_hbm.at[pl.ds(chunk_row(i), _CHUNK_ROWS)]
            return pltpu.async_copy(bufs[b], dst, wsems[b])

        reads = [None] * n_chunks
        writes = [None] * n_chunks
        for i in range(n_chunks):
            b = i % _NBUF
            if i >= _NBUF:
                writes[i - _NBUF].wait()
            reads[i] = rd(i, b)
            if i >= 5:
                reads[i - 5].wait()
                writes[i - 5] = wr(i - 5, (i - 5) % _NBUF)
        for i in range(max(0, n_chunks - 5), n_chunks):
            reads[i].wait()
            writes[i] = wr(i, i % _NBUF)
        for i in range(max(0, n_chunks - _NBUF), n_chunks):
            writes[i].wait()

    return copy_kernel


def kernel(input, weights):
    bsz, seq_len = input.shape
    table_rows, dim = weights.shape
    origin_shift = table_rows // 2
    start = int(-seq_len / 2)
    end = round(seq_len / 2 + 1e-05)
    num_rows = end - start
    row_start = origin_shift + start
    return _build(num_rows, row_start, table_rows, dim)(weights)

# --- scband reference (transcript-rebuilt; emitter-appended) ---
"""Pipeline reference for scband-relative-embedding-1786706395842 (READ-ONLY COPY).

The authoritative reference and input builder live on the scoring server;
editing this copy changes nothing except your own understanding.
"""

import jax, jax.numpy as jnp
import numpy as np
import math

EMBEDDING_DIM = 1024
PADDING_IDX = 0
INIT_SIZE = 16384  # number of rows in the sinusoidal relative-position table


def _get_embedding(num_embeddings, embedding_dim, padding_idx):
    # Faithful port of the fairseq/fastNLP sinusoidal relative embedding builder
    half_dim = embedding_dim // 2
    emb = math.log(10000) / (half_dim - 1)
    emb = np.exp(np.arange(half_dim, dtype=np.float32) * -emb)
    pos = np.arange(-(num_embeddings // 2), num_embeddings // 2, dtype=np.float32)
    emb = pos[:, None] * emb[None, :]
    emb = np.concatenate([np.sin(emb), np.cos(emb)], axis=1).reshape(num_embeddings, -1)
    if embedding_dim % 2 == 1:
        emb = np.concatenate([emb, np.zeros((num_embeddings, 1), dtype=np.float32)], axis=1)
    if padding_idx is not None:
        emb[padding_idx, :] = 0.0
    return jnp.asarray(emb, dtype=jnp.float32)


def setup_inputs(seed: int = 0) -> dict:
    key = jax.random.key(seed)
    # token ids: only the shape (bsz, seq_len) matters to this module
    inp = jax.random.randint(key, (4, 8192), 0, 32000, dtype=jnp.int32)
    weights = _get_embedding(INIT_SIZE, EMBEDDING_DIM, PADDING_IDX)
    return {"input": inp, "weights": weights}


def reference(input, weights):
    bsz, seq_len = input.shape
    origin_shift = weights.shape[0] // 2
    # max_pos = padding_idx + seq_len = 8192 <= origin_shift = 8192, so no regrowth branch
    start = int(-seq_len / 2)
    end = round(seq_len / 2 + 1e-05)
    positions = jnp.arange(start, end, dtype=jnp.int32) + origin_shift
    embed = jnp.take(weights, positions, axis=0)
    # .detach() in the torch module
    embed = jax.lax.stop_gradient(embed)
    return embed

if __name__ == "__main__":
    import jax
    _d = setup_inputs()
    print(jax.jit(kernel)(*tuple(_d.values())))

</pallas_src>

<mosaic_0001>
#map = affine_map<(d0, d1) -> (0, 0)>
module attributes {stable_mosaic.version = 14 : i64} {
  func.func @copy_kernel(%arg0: i32, %arg1: i32, %arg2: memref<16384x1024xf32, #tpu.memory_space<hbm>>, %arg3: memref<8192x1024xf32, #tpu.memory_space<hbm>>, %arg4: memref<16x1024xf32, #tpu.memory_space<vmem>>, %arg5: memref<16x1024xf32, #tpu.memory_space<vmem>>, %arg6: memref<16x1024xf32, #tpu.memory_space<vmem>>, %arg7: memref<16x1024xf32, #tpu.memory_space<vmem>>, %arg8: memref<16x1024xf32, #tpu.memory_space<vmem>>, %arg9: memref<16x1024xf32, #tpu.memory_space<vmem>>, %arg10: memref<16x1024xf32, #tpu.memory_space<vmem>>, %arg11: memref<!tpu.dma_semaphore, #tpu.memory_space<semaphore_mem>>, %arg12: memref<!tpu.dma_semaphore, #tpu.memory_space<semaphore_mem>>, %arg13: memref<!tpu.dma_semaphore, #tpu.memory_space<semaphore_mem>>, %arg14: memref<!tpu.dma_semaphore, #tpu.memory_space<semaphore_mem>>, %arg15: memref<!tpu.dma_semaphore, #tpu.memory_space<semaphore_mem>>, %arg16: memref<!tpu.dma_semaphore, #tpu.memory_space<semaphore_mem>>, %arg17: memref<!tpu.dma_semaphore, #tpu.memory_space<semaphore_mem>>, %arg18: memref<!tpu.dma_semaphore, #tpu.memory_space<semaphore_mem>>, %arg19: memref<!tpu.dma_semaphore, #tpu.memory_space<semaphore_mem>>, %arg20: memref<!tpu.dma_semaphore, #tpu.memory_space<semaphore_mem>>, %arg21: memref<!tpu.dma_semaphore, #tpu.memory_space<semaphore_mem>>, %arg22: memref<!tpu.dma_semaphore, #tpu.memory_space<semaphore_mem>>, %arg23: memref<!tpu.dma_semaphore, #tpu.memory_space<semaphore_mem>>, %arg24: memref<!tpu.dma_semaphore, #tpu.memory_space<semaphore_mem>>) attributes {dimension_semantics = [#tpu.dimension_semantics<core_parallel>, #tpu.dimension_semantics<subcore_parallel>], iteration_bounds = array<i64: 2, 16>, scalar_prefetch = 0 : i64, scratch_operands = 21 : i64, tpu.core_type = #tpu.core_type<sc_vector_subcore>, window_params = [{transform_indices = #map}, {transform_indices = #map}]} {
    %mul3A = arith.constant 2 : i32
    %mul3A_0 = arith.muli %arg1, %mul3A : i32
    %add3A = arith.addi %mul3A_0, %arg0 : i32
    %add3A_1 = arith.constant 0 : i32
    %add3A_2 = arith.addi %add3A, %add3A_1 : i32
    %mul3A_3 = arith.constant 16 : i32
    %mul3A_4 = arith.muli %add3A_2, %mul3A_3 : i32
    %add3A_5 = arith.constant 4096 : i32
    %add3A_6 = arith.addi %add3A_5, %mul3A_4 : i32
    %dma_start3A = arith.constant 0 : i32
    %dma_start3A_7 = tpu.memref_slice %arg2[%add3A_6, %dma_start3A] : memref<16384x1024xf32, #tpu.memory_space<hbm>> -> memref<16x1024xf32, #tpu.memory_space<hbm>>
    %dma_start3A_8 = arith.constant 0 : i32
    %dma_start3A_9 = tpu.memref_slice %arg2[%add3A_6, %dma_start3A_8] : memref<16384x1024xf32, #tpu.memory_space<hbm>> -> memref<16x1024xf32, #tpu.memory_space<hbm>>
    tpu.enqueue_dma source(%dma_start3A_9 : memref<16x1024xf32, #tpu.memory_space<hbm>>) target(%arg4 : memref<16x1024xf32, #tpu.memory_space<vmem>>) target_semaphore(%arg11 : memref<!tpu.dma_semaphore, #tpu.memory_space<semaphore_mem>>)
    %add3A_10 = arith.constant 32 : i32
    %add3A_11 = arith.addi %add3A, %add3A_10 : i32
    %mul3A_12 = arith.constant 16 : i32
    %mul3A_13 = arith.muli %add3A_11, %mul3A_12 : i32
    %add3A_14 = arith.constant 4096 : i32
    %add3A_15 = arith.addi %add3A_14, %mul3A_13 : i32
    %dma_start3A_16 = arith.constant 0 : i32
    %dma_start3A_17 = tpu.memref_slice %arg2[%add3A_15, %dma_start3A_16] : memref<16384x1024xf32, #tpu.memory_space<hbm>> -> memref<16x1024xf32, #tpu.memory_space<hbm>>
    %dma_start3A_18 = arith.constant 0 : i32
    %dma_start3A_19 = tpu.memref_slice %arg2[%add3A_15, %dma_start3A_18] : memref<16384x1024xf32, #tpu.memory_space<hbm>> -> memref<16x1024xf32, #tpu.memory_space<hbm>>
    tpu.enqueue_dma source(%dma_start3A_19 : memref<16x1024xf32, #tpu.memory_space<hbm>>) target(%arg5 : memref<16x1024xf32, #tpu.memory_space<vmem>>) target_semaphore(%arg12 : memref<!tpu.dma_semaphore, #tpu.memory_space<semaphore_mem>>)
    %add3A_20 = arith.constant 64 : i32
    %add3A_21 = arith.addi %add3A, %add3A_20 : i32
    %mul3A_22 = arith.constant 16 : i32
    %mul3A_23 = arith.muli %add3A_21, %mul3A_22 : i32
    %add3A_24 = arith.constant 4096 : i32
    %add3A_25 = arith.addi %add3A_24, %mul3A_23 : i32
    %dma_start3A_26 = arith.constant 0 : i32
    %dma_start3A_27 = tpu.memref_slice %arg2[%add3A_25, %dma_start3A_26] : memref<16384x1024xf32, #tpu.memory_space<hbm>> -> memref<16x1024xf32, #tpu.memory_space<hbm>>
    %dma_start3A_28 = arith.constant 0 : i32
    %dma_start3A_29 = tpu.memref_slice %arg2[%add3A_25, %dma_start3A_28] : memref<16384x1024xf32, #tpu.memory_space<hbm>> -> memref<16x1024xf32, #tpu.memory_space<hbm>>
    tpu.enqueue_dma source(%dma_start3A_29 : memref<16x1024xf32, #tpu.memory_space<hbm>>) target(%arg6 : memref<16x1024xf32, #tpu.memory_space<vmem>>) target_semaphore(%arg13 : memref<!tpu.dma_semaphore, #tpu.memory_space<semaphore_mem>>)
    %add3A_30 = arith.constant 96 : i32
    %add3A_31 = arith.addi %add3A, %add3A_30 : i32
    %mul3A_32 = arith.constant 16 : i32
    %mul3A_33 = arith.muli %add3A_31, %mul3A_32 : i32
    %add3A_34 = arith.constant 4096 : i32
    %add3A_35 = arith.addi %add3A_34, %mul3A_33 : i32
    %dma_start3A_36 = arith.constant 0 : i32
    %dma_start3A_37 = tpu.memref_slice %arg2[%add3A_35, %dma_start3A_36] : memref<16384x1024xf32, #tpu.memory_space<hbm>> -> memref<16x1024xf32, #tpu.memory_space<hbm>>
    %dma_start3A_38 = arith.constant 0 : i32
    %dma_start3A_39 = tpu.memref_slice %arg2[%add3A_35, %dma_start3A_38] : memref<16384x1024xf32, #tpu.memory_space<hbm>> -> memref<16x1024xf32, #tpu.memory_space<hbm>>
    tpu.enqueue_dma source(%dma_start3A_39 : memref<16x1024xf32, #tpu.memory_space<hbm>>) target(%arg7 : memref<16x1024xf32, #tpu.memory_space<vmem>>) target_semaphore(%arg14 : memref<!tpu.dma_semaphore, #tpu.memory_space<semaphore_mem>>)
    %add3A_40 = arith.constant 128 : i32
    %add3A_41 = arith.addi %add3A, %add3A_40 : i32
    %mul3A_42 = arith.constant 16 : i32
    %mul3A_43 = arith.muli %add3A_41, %mul3A_42 : i32
    %add3A_44 = arith.constant 4096 : i32
    %add3A_45 = arith.addi %add3A_44, %mul3A_43 : i32
    %dma_start3A_46 = arith.constant 0 : i32
    %dma_start3A_47 = tpu.memref_slice %arg2[%add3A_45, %dma_start3A_46] : memref<16384x1024xf32, #tpu.memory_space<hbm>> -> memref<16x1024xf32, #tpu.memory_space<hbm>>
    %dma_start3A_48 = arith.constant 0 : i32
    %dma_start3A_49 = tpu.memref_slice %arg2[%add3A_45, %dma_start3A_48] : memref<16384x1024xf32, #tpu.memory_space<hbm>> -> memref<16x1024xf32, #tpu.memory_space<hbm>>
    tpu.enqueue_dma source(%dma_start3A_49 : memref<16x1024xf32, #tpu.memory_space<hbm>>) target(%arg8 : memref<16x1024xf32, #tpu.memory_space<vmem>>) target_semaphore(%arg15 : memref<!tpu.dma_semaphore, #tpu.memory_space<semaphore_mem>>)
    %add3A_50 = arith.constant 160 : i32
    %add3A_51 = arith.addi %add3A, %add3A_50 : i32
    %mul3A_52 = arith.constant 16 : i32
    %mul3A_53 = arith.muli %add3A_51, %mul3A_52 : i32
    %add3A_54 = arith.constant 4096 : i32
    %add3A_55 = arith.addi %add3A_54, %mul3A_53 : i32
    %dma_start3A_56 = arith.constant 0 : i32
    %dma_start3A_57 = tpu.memref_slice %arg2[%add3A_55, %dma_start3A_56] : memref<16384x1024xf32, #tpu.memory_space<hbm>> -> memref<16x1024xf32, #tpu.memory_space<hbm>>
    %dma_start3A_58 = arith.constant 0 : i32
    %dma_start3A_59 = tpu.memref_slice %arg2[%add3A_55, %dma_start3A_58] : memref<16384x1024xf32, #tpu.memory_space<hbm>> -> memref<16x1024xf32, #tpu.memory_space<hbm>>
    tpu.enqueue_dma source(%dma_start3A_59 : memref<16x1024xf32, #tpu.memory_space<hbm>>) target(%arg9 : memref<16x1024xf32, #tpu.memory_space<vmem>>) target_semaphore(%arg16 : memref<!tpu.dma_semaphore, #tpu.memory_space<semaphore_mem>>)
    %dma_wait3A = arith.constant 0 : i32
    %dma_wait3A_60 = tpu.memref_slice %arg2[%add3A_6, %dma_wait3A] : memref<16384x1024xf32, #tpu.memory_space<hbm>> -> memref<16x1024xf32, #tpu.memory_space<hbm>>
    %dma_wait3A_61 = arith.constant 0 : i32
    %dma_wait3A_62 = tpu.memref_slice %arg2[%add3A_6, %dma_wait3A_61] : memref<16384x1024xf32, #tpu.memory_space<hbm>> -> memref<16x1024xf32, #tpu.memory_space<hbm>>
    tpu.wait_dma2 semaphore(%arg11 : memref<!tpu.dma_semaphore, #tpu.memory_space<semaphore_mem>>) src(%dma_wait3A_62 : memref<16x1024xf32, #tpu.memory_space<hbm>>) dst(%arg4 : memref<16x1024xf32, #tpu.memory_space<vmem>>)
    %add3A_63 = arith.constant 0 : i32
    %add3A_64 = arith.addi %add3A, %add3A_63 : i32
    %mul3A_65 = arith.constant 16 : i32
    %mul3A_66 = arith.muli %add3A_64, %mul3A_65 : i32
    %dma_start3A_67 = arith.constant 0 : i32
    %dma_start3A_68 = tpu.memref_slice %arg3[%mul3A_66, %dma_start3A_67] : memref<8192x1024xf32, #tpu.memory_space<hbm>> -> memref<16x1024xf32, #tpu.memory_space<hbm>>
    %dma_start3A_69 = arith.constant 0 : i32
    %dma_start3A_70 = tpu.memref_slice %arg3[%mul3A_66, %dma_start3A_69] : memref<8192x1024xf32, #tpu.memory_space<hbm>> -> memref<16x1024xf32, #tpu.memory_space<hbm>>
    tpu.enqueue_dma source(%arg4 : memref<16x1024xf32, #tpu.memory_space<vmem>>) target(%dma_start3A_70 : memref<16x1024xf32, #tpu.memory_space<hbm>>) target_semaphore(%arg18 : memref<!tpu.dma_semaphore, #tpu.memory_space<semaphore_mem>>)
    %add3A_71 = arith.constant 192 : i32
    %add3A_72 = arith.addi %add3A, %add3A_71 : i32
    %mul3A_73 = arith.constant 16 : i32
    %mul3A_74 = arith.muli %add3A_72, %mul3A_73 : i32
    %add3A_75 = arith.constant 4096 : i32
    %add3A_76 = arith.addi %add3A_75, %mul3A_74 : i32
    %dma_start3A_77 = arith.constant 0 : i32
    %dma_start3A_78 = tpu.memref_slice %arg2[%add3A_76, %dma_start3A_77] : memref<16384x1024xf32, #tpu.memory_space<hbm>> -> memref<16x1024xf32, #tpu.memory_space<hbm>>
    %dma_start3A_79 = arith.constant 0 : i32
    %dma_start3A_80 = tpu.memref_slice %arg2[%add3A_76, %dma_start3A_79] : memref<16384x1024xf32, #tpu.memory_space<hbm>> -> memref<16x1024xf32, #tpu.memory_space<hbm>>
    tpu.enqueue_dma source(%dma_start3A_80 : memref<16x1024xf32, #tpu.memory_space<hbm>>) target(%arg10 : memref<16x1024xf32, #tpu.memory_space<vmem>>) target_semaphore(%arg17 : memref<!tpu.dma_semaphore, #tpu.memory_space<semaphore_mem>>)
    %dma_wait3A_81 = arith.constant 0 : i32
    %dma_wait3A_82 = tpu.memref_slice %arg2[%add3A_15, %dma_wait3A_81] : memref<16384x1024xf32, #tpu.memory_space<hbm>> -> memref<16x1024xf32, #tpu.memory_space<hbm>>
    %dma_wait3A_83 = arith.constant 0 : i32
    %dma_wait3A_84 = tpu.memref_slice %arg2[%add3A_15, %dma_wait3A_83] : memref<16384x1024xf32, #tpu.memory_space<hbm>> -> memref<16x1024xf32, #tpu.memory_space<hbm>>
    tpu.wait_dma2 semaphore(%arg12 : memref<!tpu.dma_semaphore, #tpu.memory_space<semaphore_mem>>) src(%dma_wait3A_84 : memref<16x1024xf32, #tpu.memory_space<hbm>>) dst(%arg5 : memref<16x1024xf32, #tpu.memory_space<vmem>>)
    %add3A_85 = arith.constant 32 : i32
    %add3A_86 = arith.addi %add3A, %add3A_85 : i32
    %mul3A_87 = arith.constant 16 : i32
    %mul3A_88 = arith.muli %add3A_86, %mul3A_87 : i32
    %dma_start3A_89 = arith.constant 0 : i32
    %dma_start3A_90 = tpu.memref_slice %arg3[%mul3A_88, %dma_start3A_89] : memref<8192x1024xf32, #tpu.memory_space<hbm>> -> memref<16x1024xf32, #tpu.memory_space<hbm>>
    %dma_start3A_91 = arith.constant 0 : i32
    %dma_start3A_92 = tpu.memref_slice %arg3[%mul3A_88, %dma_start3A_91] : memref<8192x1024xf32, #tpu.memory_space<hbm>> -> memref<16x1024xf32, #tpu.memory_space<hbm>>
    tpu.enqueue_dma source(%arg5 : memref<16x1024xf32, #tpu.memory_space<vmem>>) target(%dma_start3A_92 : memref<16x1024xf32, #tpu.memory_space<hbm>>) target_semaphore(%arg19 : memref<!tpu.dma_semaphore, #tpu.memory_space<semaphore_mem>>)
    %dma_wait3A_93 = arith.constant 0 : i32
    %dma_wait3A_94 = tpu.memref_slice %arg3[%mul3A_66, %dma_wait3A_93] : memref<8192x1024xf32, #tpu.memory_space<hbm>> -> memref<16x1024xf32, #tpu.memory_space<hbm>>
    %dma_wait3A_95 = arith.constant 0 : i32
    %dma_wait3A_96 = tpu.memref_slice %arg3[%mul3A_66, %dma_wait3A_95] : memref<8192x1024xf32, #tpu.memory_space<hbm>> -> memref<16x1024xf32, #tpu.memory_space<hbm>>
    tpu.wait_dma2 semaphore(%arg18 : memref<!tpu.dma_semaphore, #tpu.memory_space<semaphore_mem>>) src(%arg4 : memref<16x1024xf32, #tpu.memory_space<vmem>>) dst(%dma_wait3A_96 : memref<16x1024xf32, #tpu.memory_space<hbm>>)
    %add3A_97 = arith.constant 224 : i32
    %add3A_98 = arith.addi %add3A, %add3A_97 : i32
    %mul3A_99 = arith.constant 16 : i32
    %mul3A_100 = arith.muli %add3A_98, %mul3A_99 : i32
    %add3A_101 = arith.constant 4096 : i32
    %add3A_102 = arith.addi %add3A_101, %mul3A_100 : i32
    %dma_start3A_103 = arith.constant 0 : i32
    %dma_start3A_104 = tpu.memref_slice %arg2[%add3A_102, %dma_start3A_103] : memref<16384x1024xf32, #tpu.memory_space<hbm>> -> memref<16x1024xf32, #tpu.memory_space<hbm>>
    %dma_start3A_105 = arith.constant 0 : i32
    %dma_start3A_106 = tpu.memref_slice %arg2[%add3A_102, %dma_start3A_105] : memref<16384x1024xf32, #tpu.memory_space<hbm>> -> memref<16x1024xf32, #tpu.memory_space<hbm>>
    tpu.enqueue_dma source(%dma_start3A_106 : memref<16x1024xf32, #tpu.memory_space<hbm>>) target(%arg4 : memref<16x1024xf32, #tpu.memory_space<vmem>>) target_semaphore(%arg11 : memref<!tpu.dma_semaphore, #tpu.memory_space<semaphore_mem>>)
    %dma_wait3A_107 = arith.constant 0 : i32
    %dma_wait3A_108 = tpu.memref_slice %arg2[%add3A_25, %dma_wait3A_107] : memref<16384x1024xf32, #tpu.memory_space<hbm>> -> memref<16x1024xf32, #tpu.memory_space<hbm>>
    %dma_wait3A_109 = arith.constant 0 : i32
    %dma_wait3A_110 = tpu.memref_slice %arg2[%add3A_25, %dma_wait3A_109] : memref<16384x1024xf32, #tpu.memory_space<hbm>> -> memref<16x1024xf32, #tpu.memory_space<hbm>>
    tpu.wait_dma2 semaphore(%arg13 : memref<!tpu.dma_semaphore, #tpu.memory_space<semaphore_mem>>) src(%dma_wait3A_110 : memref<16x1024xf32, #tpu.memory_space<hbm>>) dst(%arg6 : memref<16x1024xf32, #tpu.memory_space<vmem>>)
    %add3A_111 = arith.constant 64 : i32
    %add3A_112 = arith.addi %add3A, %add3A_111 : i32
    %mul3A_113 = arith.constant 16 : i32
    %mul3A_114 = arith.muli %add3A_112, %mul3A_113 : i32
    %dma_start3A_115 = arith.constant 0 : i32
    %dma_start3A_116 = tpu.memref_slice %arg3[%mul3A_114, %dma_start3A_115] : memref<8192x1024xf32, #tpu.memory_space<hbm>> -> memref<16x1024xf32, #tpu.memory_space<hbm>>
    %dma_start3A_117 = arith.constant 0 : i32
    %dma_start3A_118 = tpu.memref_slice %arg3[%mul3A_114, %dma_start3A_117] : memref<8192x1024xf32, #tpu.memory_space<hbm>> -> memref<16x1024xf32, #tpu.memory_space<hbm>>
    tpu.enqueue_dma source(%arg6 : memref<16x1024xf32, #tpu.memory_space<vmem>>) target(%dma_start3A_118 : memref<16x1024xf32, #tpu.memory_space<hbm>>) target_semaphore(%arg20 : memref<!tpu.dma_semaphore, #tpu.memory_space<semaphore_mem>>)
    %dma_wait3A_119 = arith.constant 0 : i32
    %dma_wait3A_120 = tpu.memref_slice %arg3[%mul3A_88, %dma_wait3A_119] : memref<8192x1024xf32, #tpu.memory_space<hbm>> -> memref<16x1024xf32, #tpu.memory_space<hbm>>
    %dma_wait3A_121 = arith.constant 0 : i32
    %dma_wait3A_122 = tpu.memref_slice %arg3[%mul3A_88, %dma_wait3A_121] : memref<8192x1024xf32, #tpu.memory_space<hbm>> -> memref<16x1024xf32, #tpu.memory_space<hbm>>
    tpu.wait_dma2 semaphore(%arg19 : memref<!tpu.dma_semaphore, #tpu.memory_space<semaphore_mem>>) src(%arg5 : memref<16x1024xf32, #tpu.memory_space<vmem>>) dst(%dma_wait3A_122 : memref<16x1024xf32, #tpu.memory_space<hbm>>)
    %add3A_123 = arith.constant 256 : i32
    %add3A_124 = arith.addi %add3A, %add3A_123 : i32
    %mul3A_125 = arith.constant 16 : i32
    %mul3A_126 = arith.muli %add3A_124, %mul3A_125 : i32
    %add3A_127 = arith.constant 4096 : i32
    %add3A_128 = arith.addi %add3A_127, %mul3A_126 : i32
    %dma_start3A_129 = arith.constant 0 : i32
    %dma_start3A_130 = tpu.memref_slice %arg2[%add3A_128, %dma_start3A_129] : memref<16384x1024xf32, #tpu.memory_space<hbm>> -> memref<16x1024xf32, #tpu.memory_space<hbm>>
    %dma_start3A_131 = arith.constant 0 : i32
    %dma_start3A_132 = tpu.memref_slice %arg2[%add3A_128, %dma_start3A_131] : memref<16384x1024xf32, #tpu.memory_space<hbm>> -> memref<16x1024xf32, #tpu.memory_space<hbm>>
    tpu.enqueue_dma source(%dma_start3A_132 : memref<16x1024xf32, #tpu.memory_space<hbm>>) target(%arg5 : memref<16x1024xf32, #tpu.memory_space<vmem>>) target_semaphore(%arg12 : memref<!tpu.dma_semaphore, #tpu.memory_space<semaphore_mem>>)
    %dma_wait3A_133 = arith.constant 0 : i32
    %dma_wait3A_134 = tpu.memref_slice %arg2[%add3A_35, %dma_wait3A_133] : memref<16384x1024xf32, #tpu.memory_space<hbm>> -> memref<16x1024xf32, #tpu.memory_space<hbm>>
    %dma_wait3A_135 = arith.constant 0 : i32
    %dma_wait3A_136 = tpu.memref_slice %arg2[%add3A_35, %dma_wait3A_135] : memref<16384x1024xf32, #tpu.memory_space<hbm>> -> memref<16x1024xf32, #tpu.memory_space<hbm>>
    tpu.wait_dma2 semaphore(%arg14 : memref<!tpu.dma_semaphore, #tpu.memory_space<semaphore_mem>>) src(%dma_wait3A_136 : memref<16x1024xf32, #tpu.memory_space<hbm>>) dst(%arg7 : memref<16x1024xf32, #tpu.memory_space<vmem>>)
    %add3A_137 = arith.constant 96 : i32
    %add3A_138 = arith.addi %add3A, %add3A_137 : i32
    %mul3A_139 = arith.constant 16 : i32
    %mul3A_140 = arith.muli %add3A_138, %mul3A_139 : i32
    %dma_start3A_141 = arith.constant 0 : i32
    %dma_start3A_142 = tpu.memref_slice %arg3[%mul3A_140, %dma_start3A_141] : memref<8192x1024xf32, #tpu.memory_space<hbm>> -> memref<16x1024xf32, #tpu.memory_space<hbm>>
    %dma_start3A_143 = arith.constant 0 : i32
    %dma_start3A_144 = tpu.memref_slice %arg3[%mul3A_140, %dma_start3A_143] : memref<8192x1024xf32, #tpu.memory_space<hbm>> -> memref<16x1024xf32, #tpu.memory_space<hbm>>
    tpu.enqueue_dma source(%arg7 : memref<16x1024xf32, #tpu.memory_space<vmem>>) target(%dma_start3A_144 : memref<16x1024xf32, #tpu.memory_space<hbm>>) target_semaphore(%arg21 : memref<!tpu.dma_semaphore, #tpu.memory_space<semaphore_mem>>)
    %dma_wait3A_145 = arith.constant 0 : i32
    %dma_wait3A_146 = tpu.memref_slice %arg3[%mul3A_114, %dma_wait3A_145] : memref<8192x1024xf32, #tpu.memory_space<hbm>> -> memref<16x1024xf32, #tpu.memory_space<hbm>>
    %dma_wait3A_147 = arith.constant 0 : i32
    %dma_wait3A_148 = tpu.memref_slice %arg3[%mul3A_114, %dma_wait3A_147] : memref<8192x1024xf32, #tpu.memory_space<hbm>> -> memref<16x1024xf32, #tpu.memory_space<hbm>>
    tpu.wait_dma2 semaphore(%arg20 : memref<!tpu.dma_semaphore, #tpu.memory_space<semaphore_mem>>) src(%arg6 : memref<16x1024xf32, #tpu.memory_space<vmem>>) dst(%dma_wait3A_148 : memref<16x1024xf32, #tpu.memory_space<hbm>>)
    %add3A_149 = arith.constant 288 : i32
    %add3A_150 = arith.addi %add3A, %add3A_149 : i32
    %mul3A_151 = arith.constant 16 : i32
    %mul3A_152 = arith.muli %add3A_150, %mul3A_151 : i32
    %add3A_153 = arith.constant 4096 : i32
    %add3A_154 = arith.addi %add3A_153, %mul3A_152 : i32
    %dma_start3A_155 = arith.constant 0 : i32
    %dma_start3A_156 = tpu.memref_slice %arg2[%add3A_154, %dma_start3A_155] : memref<16384x1024xf32, #tpu.memory_space<hbm>> -> memref<16x1024xf32, #tpu.memory_space<hbm>>
    %dma_start3A_157 = arith.constant 0 : i32
    %dma_start3A_158 = tpu.memref_slice %arg2[%add3A_154, %dma_start3A_157] : memref<16384x1024xf32, #tpu.memory_space<hbm>> -> memref<16x1024xf32, #tpu.memory_space<hbm>>
    tpu.enqueue_dma source(%dma_start3A_158 : memref<16x1024xf32, #tpu.memory_space<hbm>>) target(%arg6 : memref<16x1024xf32, #tpu.memory_space<vmem>>) target_semaphore(%arg13 : memref<!tpu.dma_semaphore, #tpu.memory_space<semaphore_mem>>)
    %dma_wait3A_159 = arith.constant 0 : i32
    %dma_wait3A_160 = tpu.memref_slice %arg2[%add3A_45, %dma_wait3A_159] : memref<16384x1024xf32, #tpu.memory_space<hbm>> -> memref<16x1024xf32, #tpu.memory_space<hbm>>
    %dma_wait3A_161 = arith.constant 0 : i32
    %dma_wait3A_162 = tpu.memref_slice %arg2[%add3A_45, %dma_wait3A_161] : memref<16384x1024xf32, #tpu.memory_space<hbm>> -> memref<16x1024xf32, #tpu.memory_space<hbm>>
    tpu.wait_dma2 semaphore(%arg15 : memref<!tpu.dma_semaphore, #tpu.memory_space<semaphore_mem>>) src(%dma_wait3A_162 : memref<16x1024xf32, #tpu.memory_space<hbm>>) dst(%arg8 : memref<16x1024xf32, #tpu.memory_space<vmem>>)
    %add3A_163 = arith.constant 128 : i32
    %add3A_164 = arith.addi %add3A, %add3A_163 : i32
    %mul3A_165 = arith.constant 16 : i32
    %mul3A_166 = arith.muli %add3A_164, %mul3A_165 : i32
    %dma_start3A_167 = arith.constant 0 : i32
    %dma_start3A_168 = tpu.memref_slice %arg3[%mul3A_166, %dma_start3A_167] : memref<8192x1024xf32, #tpu.memory_space<hbm>> -> memref<16x1024xf32, #tpu.memory_space<hbm>>
    %dma_start3A_169 = arith.constant 0 : i32
    %dma_start3A_170 = tpu.memref_slice %arg3[%mul3A_166, %dma_start3A_169] : memref<8192x1024xf32, #tpu.memory_space<hbm>> -> memref<16x1024xf32, #tpu.memory_space<hbm>>
    tpu.enqueue_dma source(%arg8 : memref<16x1024xf32, #tpu.memory_space<vmem>>) target(%dma_start3A_170 : memref<16x1024xf32, #tpu.memory_space<hbm>>) target_semaphore(%arg22 : memref<!tpu.dma_semaphore, #tpu.memory_space<semaphore_mem>>)
    %dma_wait3A_171 = arith.constant 0 : i32
    %dma_wait3A_172 = tpu.memref_slice %arg3[%mul3A_140, %dma_wait3A_171] : memref<8192x1024xf32, #tpu.memory_space<hbm>> -> memref<16x1024xf32, #tpu.memory_space<hbm>>
    %dma_wait3A_173 = arith.constant 0 : i32
    %dma_wait3A_174 = tpu.memref_slice %arg3[%mul3A_140, %dma_wait3A_173] : memref<8192x1024xf32, #tpu.memory_space<hbm>> -> memref<16x1024xf32, #tpu.memory_space<hbm>>
    tpu.wait_dma2 semaphore(%arg21 : memref<!tpu.dma_semaphore, #tpu.memory_space<semaphore_mem>>) src(%arg7 : memref<16x1024xf32, #tpu.memory_space<vmem>>) dst(%dma_wait3A_174 : memref<16x1024xf32, #tpu.memory_space<hbm>>)
    %add3A_175 = arith.constant 320 : i32
    %add3A_176 = arith.addi %add3A, %add3A_175 : i32
    %mul3A_177 = arith.constant 16 : i32
    %mul3A_178 = arith.muli %add3A_176, %mul3A_177 : i32
    %add3A_179 = arith.constant 4096 : i32
    %add3A_180 = arith.addi %add3A_179, %mul3A_178 : i32
    %dma_start3A_181 = arith.constant 0 : i32
    %dma_start3A_182 = tpu.memref_slice %arg2[%add3A_180, %dma_start3A_181] : memref<16384x1024xf32, #tpu.memory_space<hbm>> -> memref<16x1024xf32, #tpu.memory_space<hbm>>
    %dma_start3A_183 = arith.constant 0 : i32
    %dma_start3A_184 = tpu.memref_slice %arg2[%add3A_180, %dma_start3A_183] : memref<16384x1024xf32, #tpu.memory_space<hbm>> -> memref<16x1024xf32, #tpu.memory_space<hbm>>
    tpu.enqueue_dma source(%dma_start3A_184 : memref<16x1024xf32, #tpu.memory_space<hbm>>) target(%arg7 : memref<16x1024xf32, #tpu.memory_space<vmem>>) target_semaphore(%arg14 : memref<!tpu.dma_semaphore, #tpu.memory_space<semaphore_mem>>)
    %dma_wait3A_185 = arith.constant 0 : i32
    %dma_wait3A_186 = tpu.memref_slice %arg2[%add3A_55, %dma_wait3A_185] : memref<16384x1024xf32, #tpu.memory_space<hbm>> -> memref<16x1024xf32, #tpu.memory_space<hbm>>
    %dma_wait3A_187 = arith.constant 0 : i32
    %dma_wait3A_188 = tpu.memref_slice %arg2[%add3A_55, %dma_wait3A_187] : memref<16384x1024xf32, #tpu.memory_space<hbm>> -> memref<16x1024xf32, #tpu.memory_space<hbm>>
    tpu.wait_dma2 semaphore(%arg16 : memref<!tpu.dma_semaphore, #tpu.memory_space<semaphore_mem>>) src(%dma_wait3A_188 : memref<16x1024xf32, #tpu.memory_space<hbm>>) dst(%arg9 : memref<16x1024xf32, #tpu.memory_space<vmem>>)
    %add3A_189 = arith.constant 160 : i32
    %add3A_190 = arith.addi %add3A, %add3A_189 : i32
    %mul3A_191 = arith.constant 16 : i32
    %mul3A_192 = arith.muli %add3A_190, %mul3A_191 : i32
    %dma_start3A_193 = arith.constant 0 : i32
    %dma_start3A_194 = tpu.memref_slice %arg3[%mul3A_192, %dma_start3A_193] : memref<8192x1024xf32, #tpu.memory_space<hbm>> -> memref<16x1024xf32, #tpu.memory_space<hbm>>
    %dma_start3A_195 = arith.constant 0 : i32
    %dma_start3A_196 = tpu.memref_slice %arg3[%mul3A_192, %dma_start3A_195] : memref<8192x1024xf32, #tpu.memory_space<hbm>> -> memref<16x1024xf32, #tpu.memory_space<hbm>>
    tpu.enqueue_dma source(%arg9 : memref<16x1024xf32, #tpu.memory_space<vmem>>) target(%dma_start3A_196 : memref<16x1024xf32, #tpu.memory_space<hbm>>) target_semaphore(%arg23 : memref<!tpu.dma_semaphore, #tpu.memory_space<semaphore_mem>>)
    %dma_wait3A_197 = arith.constant 0 : i32
    %dma_wait3A_198 = tpu.memref_slice %arg3[%mul3A_166, %dma_wait3A_197] : memref<8192x1024xf32, #tpu.memory_space<hbm>> -> memref<16x1024xf32, #tpu.memory_space<hbm>>
    %dma_wait3A_199 = arith.constant 0 : i32
    %dma_wait3A_200 = tpu.memref_slice %arg3[%mul3A_166, %dma_wait3A_199] : memref<8192x1024xf32, #tpu.memory_space<hbm>> -> memref<16x1024xf32, #tpu.memory_space<hbm>>
    tpu.wait_dma2 semaphore(%arg22 : memref<!tpu.dma_semaphore, #tpu.memory_space<semaphore_mem>>) src(%arg8 : memref<16x1024xf32, #tpu.memory_space<vmem>>) dst(%dma_wait3A_200 : memref<16x1024xf32, #tpu.memory_space<hbm>>)
    %add3A_201 = arith.constant 352 : i32
    %add3A_202 = arith.addi %add3A, %add3A_201 : i32
    %mul3A_203 = arith.constant 16 : i32
    %mul3A_204 = arith.muli %add3A_202, %mul3A_203 : i32
    %add3A_205 = arith.constant 4096 : i32
    %add3A_206 = arith.addi %add3A_205, %mul3A_204 : i32
    %dma_start3A_207 = arith.constant 0 : i32
    %dma_start3A_208 = tpu.memref_slice %arg2[%add3A_206, %dma_start3A_207] : memref<16384x1024xf32, #tpu.memory_space<hbm>> -> memref<16x1024xf32, #tpu.memory_space<hbm>>
    %dma_start3A_209 = arith.constant 0 : i32
    %dma_start3A_210 = tpu.memref_slice %arg2[%add3A_206, %dma_start3A_209] : memref<16384x1024xf32, #tpu.memory_space<hbm>> -> memref<16x1024xf32, #tpu.memory_space<hbm>>
    tpu.enqueue_dma source(%dma_start3A_210 : memref<16x1024xf32, #tpu.memory_space<hbm>>) target(%arg8 : memref<16x1024xf32, #tpu.memory_space<vmem>>) target_semaphore(%arg15 : memref<!tpu.dma_semaphore, #tpu.memory_space<semaphore_mem>>)
    %dma_wait3A_211 = arith.constant 0 : i32
    %dma_wait3A_212 = tpu.memref_slice %arg2[%add3A_76, %dma_wait3A_211] : memref<16384x1024xf32, #tpu.memory_space<hbm>> -> memref<16x1024xf32, #tpu.memory_space<hbm>>
    %dma_wait3A_213 = arith.constant 0 : i32
    %dma_wait3A_214 = tpu.memref_slice %arg2[%add3A_76, %dma_wait3A_213] : memref<16384x1024xf32, #tpu.memory_space<hbm>> -> memref<16x1024xf32, #tpu.memory_space<hbm>>
    tpu.wait_dma2 semaphore(%arg17 : memref<!tpu.dma_semaphore, #tpu.memory_space<semaphore_mem>>) src(%dma_wait3A_214 : memref<16x1024xf32, #tpu.memory_space<hbm>>) dst(%arg10 : memref<16x1024xf32, #tpu.memory_space<vmem>>)
    %add3A_215 = arith.constant 192 : i32
    %add3A_216 = arith.addi %add3A, %add3A_215 : i32
    %mul3A_217 = arith.constant 16 : i32
    %mul3A_218 = arith.muli %add3A_216, %mul3A_217 : i32
    %dma_start3A_219 = arith.constant 0 : i32
    %dma_start3A_220 = tpu.memref_slice %arg3[%mul3A_218, %dma_start3A_219] : memref<8192x1024xf32, #tpu.memory_space<hbm>> -> memref<16x1024xf32, #tpu.memory_space<hbm>>
    %dma_start3A_221 = arith.constant 0 : i32
    %dma_start3A_222 = tpu.memref_slice %arg3[%mul3A_218, %dma_start3A_221] : memref<8192x1024xf32, #tpu.memory_space<hbm>> -> memref<16x1024xf32, #tpu.memory_space<hbm>>
    tpu.enqueue_dma source(%arg10 : memref<16x1024xf32, #tpu.memory_space<vmem>>) target(%dma_start3A_222 : memref<16x1024xf32, #tpu.memory_space<hbm>>) target_semaphore(%arg24 : memref<!tpu.dma_semaphore, #tpu.memory_space<semaphore_mem>>)
    %dma_wait3A_223 = arith.constant 0 : i32
    %dma_wait3A_224 = tpu.memref_slice %arg3[%mul3A_192, %dma_wait3A_223] : memref<8192x1024xf32, #tpu.memory_space<hbm>> -> memref<16x1024xf32, #tpu.memory_space<hbm>>
    %dma_wait3A_225 = arith.constant 0 : i32
    %dma_wait3A_226 = tpu.memref_slice %arg3[%mul3A_192, %dma_wait3A_225] : memref<8192x1024xf32, #tpu.memory_space<hbm>> -> memref<16x1024xf32, #tpu.memory_space<hbm>>
    tpu.wait_dma2 semaphore(%arg23 : memref<!tpu.dma_semaphore, #tpu.memory_space<semaphore_mem>>) src(%arg9 : memref<16x1024xf32, #tpu.memory_space<vmem>>) dst(%dma_wait3A_226 : memref<16x1024xf32, #tpu.memory_space<hbm>>)
    %add3A_227 = arith.constant 384 : i32
    %add3A_228 = arith.addi %add3A, %add3A_227 : i32
    %mul3A_229 = arith.constant 16 : i32
    %mul3A_230 = arith.muli %add3A_228, %mul3A_229 : i32
    %add3A_231 = arith.constant 4096 : i32
    %add3A_232 = arith.addi %add3A_231, %mul3A_230 : i32
    %dma_start3A_233 = arith.constant 0 : i32
    %dma_start3A_234 = tpu.memref_slice %arg2[%add3A_232, %dma_start3A_233] : memref<16384x1024xf32, #tpu.memory_space<hbm>> -> memref<16x1024xf32, #tpu.memory_space<hbm>>
    %dma_start3A_235 = arith.constant 0 : i32
    %dma_start3A_236 = tpu.memref_slice %arg2[%add3A_232, %dma_start3A_235] : memref<16384x1024xf32, #tpu.memory_space<hbm>> -> memref<16x1024xf32, #tpu.memory_space<hbm>>
    tpu.enqueue_dma source(%dma_start3A_236 : memref<16x1024xf32, #tpu.memory_space<hbm>>) target(%arg9 : memref<16x1024xf32, #tpu.memory_space<vmem>>) target_semaphore(%arg16 : memref<!tpu.dma_semaphore, #tpu.memory_space<semaphore_mem>>)
    %dma_wait3A_237 = arith.constant 0 : i32
    %dma_wait3A_238 = tpu.memref_slice %arg2[%add3A_102, %dma_wait3A_237] : memref<16384x1024xf32, #tpu.memory_space<hbm>> -> memref<16x1024xf32, #tpu.memory_space<hbm>>
    %dma_wait3A_239 = arith.constant 0 : i32
    %dma_wait3A_240 = tpu.memref_slice %arg2[%add3A_102, %dma_wait3A_239] : memref<16384x1024xf32, #tpu.memory_space<hbm>> -> memref<16x1024xf32, #tpu.memory_space<hbm>>
    tpu.wait_dma2 semaphore(%arg11 : memref<!tpu.dma_semaphore, #tpu.memory_space<semaphore_mem>>) src(%dma_wait3A_240 : memref<16x1024xf32, #tpu.memory_space<hbm>>) dst(%arg4 : memref<16x1024xf32, #tpu.memory_space<vmem>>)
    %add3A_241 = arith.constant 224 : i32
    %add3A_242 = arith.addi %add3A, %add3A_241 : i32
    %mul3A_243 = arith.constant 16 : i32
    %mul3A_244 = arith.muli %add3A_242, %mul3A_243 : i32
    %dma_start3A_245 = arith.constant 0 : i32
    %dma_start3A_246 = tpu.memref_slice %arg3[%mul3A_244, %dma_start3A_245] : memref<8192x1024xf32, #tpu.memory_space<hbm>> -> memref<16x1024xf32, #tpu.memory_space<hbm>>
    %dma_start3A_247 = arith.constant 0 : i32
    %dma_start3A_248 = tpu.memref_slice %arg3[%mul3A_244, %dma_start3A_247] : memref<8192x1024xf32, #tpu.memory_space<hbm>> -> memref<16x1024xf32, #tpu.memory_space<hbm>>
    tpu.enqueue_dma source(%arg4 : memref<16x1024xf32, #tpu.memory_space<vmem>>) target(%dma_start3A_248 : memref<16x1024xf32, #tpu.memory_space<hbm>>) target_semaphore(%arg18 : memref<!tpu.dma_semaphore, #tpu.memory_space<semaphore_mem>>)
    %dma_wait3A_249 = arith.constant 0 : i32
    %dma_wait3A_250 = tpu.memref_slice %arg3[%mul3A_218, %dma_wait3A_249] : memref<8192x1024xf32, #tpu.memory_space<hbm>> -> memref<16x1024xf32, #tpu.memory_space<hbm>>
    %dma_wait3A_251 = arith.constant 0 : i32
    %dma_wait3A_252 = tpu.memref_slice %arg3[%mul3A_218, %dma_wait3A_251] : memref<8192x1024xf32, #tpu.memory_space<hbm>> -> memref<16x1024xf32, #tpu.memory_space<hbm>>
    tpu.wait_dma2 semaphore(%arg24 : memref<!tpu.dma_semaphore, #tpu.memory_space<semaphore_mem>>) src(%arg10 : memref<16x1024xf32, #tpu.memory_space<vmem>>) dst(%dma_wait3A_252 : memref<16x1024xf32, #tpu.memory_space<hbm>>)
    %add3A_253 = arith.constant 416 : i32
    %add3A_254 = arith.addi %add3A, %add3A_253 : i32
    %mul3A_255 = arith.constant 16 : i32
    %mul3A_256 = arith.muli %add3A_254, %mul3A_255 : i32
    %add3A_257 = arith.constant 4096 : i32
    %add3A_258 = arith.addi %add3A_257, %mul3A_256 : i32
    %dma_start3A_259 = arith.constant 0 : i32
    %dma_start3A_260 = tpu.memref_slice %arg2[%add3A_258, %dma_start3A_259] : memref<16384x1024xf32, #tpu.memory_space<hbm>> -> memref<16x1024xf32, #tpu.memory_space<hbm>>
    %dma_start3A_261 = arith.constant 0 : i32
    %dma_start3A_262 = tpu.memref_slice %arg2[%add3A_258, %dma_start3A_261] : memref<16384x1024xf32, #tpu.memory_space<hbm>> -> memref<16x1024xf32, #tpu.memory_space<hbm>>
    tpu.enqueue_dma source(%dma_start3A_262 : memref<16x1024xf32, #tpu.memory_space<hbm>>) target(%arg10 : memref<16x1024xf32, #tpu.memory_space<vmem>>) target_semaphore(%arg17 : memref<!tpu.dma_semaphore, #tpu.memory_space<semaphore_mem>>)
    %dma_wait3A_263 = arith.constant 0 : i32
    %dma_wait3A_264 = tpu.memref_slice %arg2[%add3A_128, %dma_wait3A_263] : memref<16384x1024xf32, #tpu.memory_space<hbm>> -> memref<16x1024xf32, #tpu.memory_space<hbm>>
    %dma_wait3A_265 = arith.constant 0 : i32
    %dma_wait3A_266 = tpu.memref_slice %arg2[%add3A_128, %dma_wait3A_265] : memref<16384x1024xf32, #tpu.memory_space<hbm>> -> memref<16x1024xf32, #tpu.memory_space<hbm>>
    tpu.wait_dma2 semaphore(%arg12 : memref<!tpu.dma_semaphore, #tpu.memory_space<semaphore_mem>>) src(%dma_wait3A_266 : memref<16x1024xf32, #tpu.memory_space<hbm>>) dst(%arg5 : memref<16x1024xf32, #tpu.memory_space<vmem>>)
    %add3A_267 = arith.constant 256 : i32
    %add3A_268 = arith.addi %add3A, %add3A_267 : i32
    %mul3A_269 = arith.constant 16 : i32
    %mul3A_270 = arith.muli %add3A_268, %mul3A_269 : i32
    %dma_start3A_271 = arith.constant 0 : i32
    %dma_start3A_272 = tpu.memref_slice %arg3[%mul3A_270, %dma_start3A_271] : memref<8192x1024xf32, #tpu.memory_space<hbm>> -> memref<16x1024xf32, #tpu.memory_space<hbm>>
    %dma_start3A_273 = arith.constant 0 : i32
    %dma_start3A_274 = tpu.memref_slice %arg3[%mul3A_270, %dma_start3A_273] : memref<8192x1024xf32, #tpu.memory_space<hbm>> -> memref<16x1024xf32, #tpu.memory_space<hbm>>
    tpu.enqueue_dma source(%arg5 : memref<16x1024xf32, #tpu.memory_space<vmem>>) target(%dma_start3A_274 : memref<16x1024xf32, #tpu.memory_space<hbm>>) target_semaphore(%arg19 : memref<!tpu.dma_semaphore, #tpu.memory_space<semaphore_mem>>)
    %dma_wait3A_275 = arith.constant 0 : i32
    %dma_wait3A_276 = tpu.memref_slice %arg3[%mul3A_244, %dma_wait3A_275] : memref<8192x1024xf32, #tpu.memory_space<hbm>> -> memref<16x1024xf32, #tpu.memory_space<hbm>>
    %dma_wait3A_277 = arith.constant 0 : i32
    %dma_wait3A_278 = tpu.memref_slice %arg3[%mul3A_244, %dma_wait3A_277] : memref<8192x1024xf32, #tpu.memory_space<hbm>> -> memref<16x1024xf32, #tpu.memory_space<hbm>>
    tpu.wait_dma2 semaphore(%arg18 : memref<!tpu.dma_semaphore, #tpu.memory_space<semaphore_mem>>) src(%arg4 : memref<16x1024xf32, #tpu.memory_space<vmem>>) dst(%dma_wait3A_278 : memref<16x1024xf32, #tpu.memory_space<hbm>>)
    %add3A_279 = arith.constant 448 : i32
    %add3A_280 = arith.addi %add3A, %add3A_279 : i32
    %mul3A_281 = arith.constant 16 : i32
    %mul3A_282 = arith.muli %add3A_280, %mul3A_281 : i32
    %add3A_283 = arith.constant 4096 : i32
    %add3A_284 = arith.addi %add3A_283, %mul3A_282 : i32
    %dma_start3A_285 = arith.constant 0 : i32
    %dma_start3A_286 = tpu.memref_slice %arg2[%add3A_284, %dma_start3A_285] : memref<16384x1024xf32, #tpu.memory_space<hbm>> -> memref<16x1024xf32, #tpu.memory_space<hbm>>
    %dma_start3A_287 = arith.constant 0 : i32
    %dma_start3A_288 = tpu.memref_slice %arg2[%add3A_284, %dma_start3A_287] : memref<16384x1024xf32, #tpu.memory_space<hbm>> -> memref<16x1024xf32, #tpu.memory_space<hbm>>
    tpu.enqueue_dma source(%dma_start3A_288 : memref<16x1024xf32, #tpu.memory_space<hbm>>) target(%arg4 : memref<16x1024xf32, #tpu.memory_space<vmem>>) target_semaphore(%arg11 : memref<!tpu.dma_semaphore, #tpu.memory_space<semaphore_mem>>)
    %dma_wait3A_289 = arith.constant 0 : i32
    %dma_wait3A_290 = tpu.memref_slice %arg2[%add3A_154, %dma_wait3A_289] : memref<16384x1024xf32, #tpu.memory_space<hbm>> -> memref<16x1024xf32, #tpu.memory_space<hbm>>
    %dma_wait3A_291 = arith.constant 0 : i32
    %dma_wait3A_292 = tpu.memref_slice %arg2[%add3A_154, %dma_wait3A_291] : memref<16384x1024xf32, #tpu.memory_space<hbm>> -> memref<16x1024xf32, #tpu.memory_space<hbm>>
    tpu.wait_dma2 semaphore(%arg13 : memref<!tpu.dma_semaphore, #tpu.memory_space<semaphore_mem>>) src(%dma_wait3A_292 : memref<16x1024xf32, #tpu.memory_space<hbm>>) dst(%arg6 : memref<16x1024xf32, #tpu.memory_space<vmem>>)
    %add3A_293 = arith.constant 288 : i32
    %add3A_294 = arith.addi %add3A, %add3A_293 : i32
    %mul3A_295 = arith.constant 16 : i32
    %mul3A_296 = arith.muli %add3A_294, %mul3A_295 : i32
    %dma_start3A_297 = arith.constant 0 : i32
    %dma_start3A_298 = tpu.memref_slice %arg3[%mul3A_296, %dma_start3A_297] : memref<8192x1024xf32, #tpu.memory_space<hbm>> -> memref<16x1024xf32, #tpu.memory_space<hbm>>
    %dma_start3A_299 = arith.constant 0 : i32
    %dma_start3A_300 = tpu.memref_slice %arg3[%mul3A_296, %dma_start3A_299] : memref<8192x1024xf32, #tpu.memory_space<hbm>> -> memref<16x1024xf32, #tpu.memory_space<hbm>>
    tpu.enqueue_dma source(%arg6 : memref<16x1024xf32, #tpu.memory_space<vmem>>) target(%dma_start3A_300 : memref<16x1024xf32, #tpu.memory_space<hbm>>) target_semaphore(%arg20 : memref<!tpu.dma_semaphore, #tpu.memory_space<semaphore_mem>>)
    %dma_wait3A_301 = arith.constant 0 : i32
    %dma_wait3A_302 = tpu.memref_slice %arg3[%mul3A_270, %dma_wait3A_301] : memref<8192x1024xf32, #tpu.memory_space<hbm>> -> memref<16x1024xf32, #tpu.memory_space<hbm>>
    %dma_wait3A_303 = arith.constant 0 : i32
    %dma_wait3A_304 = tpu.memref_slice %arg3[%mul3A_270, %dma_wait3A_303] : memref<8192x1024xf32, #tpu.memory_space<hbm>> -> memref<16x1024xf32, #tpu.memory_space<hbm>>
    tpu.wait_dma2 semaphore(%arg19 : memref<!tpu.dma_semaphore, #tpu.memory_space<semaphore_mem>>) src(%arg5 : memref<16x1024xf32, #tpu.memory_space<vmem>>) dst(%dma_wait3A_304 : memref<16x1024xf32, #tpu.memory_space<hbm>>)
    %add3A_305 = arith.constant 480 : i32
    %add3A_306 = arith.addi %add3A, %add3A_305 : i32
    %mul3A_307 = arith.constant 16 : i32
    %mul3A_308 = arith.muli %add3A_306, %mul3A_307 : i32
    %add3A_309 = arith.constant 4096 : i32
    %add3A_310 = arith.addi %add3A_309, %mul3A_308 : i32
    %dma_start3A_311 = arith.constant 0 : i32
    %dma_start3A_312 = tpu.memref_slice %arg2[%add3A_310, %dma_start3A_311] : memref<16384x1024xf32, #tpu.memory_space<hbm>> -> memref<16x1024xf32, #tpu.memory_space<hbm>>
    %dma_start3A_313 = arith.constant 0 : i32
    %dma_start3A_314 = tpu.memref_slice %arg2[%add3A_310, %dma_start3A_313] : memref<16384x1024xf32, #tpu.memory_space<hbm>> -> memref<16x1024xf32, #tpu.memory_space<hbm>>
    tpu.enqueue_dma source(%dma_start3A_314 : memref<16x1024xf32, #tpu.memory_space<hbm>>) target(%arg5 : memref<16x1024xf32, #tpu.memory_space<vmem>>) target_semaphore(%arg12 : memref<!tpu.dma_semaphore, #tpu.memory_space<semaphore_mem>>)
    %dma_wait3A_315 = arith.constant 0 : i32
    %dma_wait3A_316 = tpu.memref_slice %arg2[%add3A_180, %dma_wait3A_315] : memref<16384x1024xf32, #tpu.memory_space<hbm>> -> memref<16x1024xf32, #tpu.memory_space<hbm>>
    %dma_wait3A_317 = arith.constant 0 : i32
    %dma_wait3A_318 = tpu.memref_slice %arg2[%add3A_180, %dma_wait3A_317] : memref<16384x1024xf32, #tpu.memory_space<hbm>> -> memref<16x1024xf32, #tpu.memory_space<hbm>>
    tpu.wait_dma2 semaphore(%arg14 : memref<!tpu.dma_semaphore, #tpu.memory_space<semaphore_mem>>) src(%dma_wait3A_318 : memref<16x1024xf32, #tpu.memory_space<hbm>>) dst(%arg7 : memref<16x1024xf32, #tpu.memory_space<vmem>>)
    %add3A_319 = arith.constant 320 : i32
    %add3A_320 = arith.addi %add3A, %add3A_319 : i32
    %mul3A_321 = arith.constant 16 : i32
    %mul3A_322 = arith.muli %add3A_320, %mul3A_321 : i32
    %dma_start3A_323 = arith.constant 0 : i32
    %dma_start3A_324 = tpu.memref_slice %arg3[%mul3A_322, %dma_start3A_323] : memref<8192x1024xf32, #tpu.memory_space<hbm>> -> memref<16x1024xf32, #tpu.memory_space<hbm>>
    %dma_start3A_325 = arith.constant 0 : i32
    %dma_start3A_326 = tpu.memref_slice %arg3[%mul3A_322, %dma_start3A_325] : memref<8192x1024xf32, #tpu.memory_space<hbm>> -> memref<16x1024xf32, #tpu.memory_space<hbm>>
    tpu.enqueue_dma source(%arg7 : memref<16x1024xf32, #tpu.memory_space<vmem>>) target(%dma_start3A_326 : memref<16x1024xf32, #tpu.memory_space<hbm>>) target_semaphore(%arg21 : memref<!tpu.dma_semaphore, #tpu.memory_space<semaphore_mem>>)
    %dma_wait3A_327 = arith.constant 0 : i32
    %dma_wait3A_328 = tpu.memref_slice %arg2[%add3A_206, %dma_wait3A_327] : memref<16384x1024xf32, #tpu.memory_space<hbm>> -> memref<16x1024xf32, #tpu.memory_space<hbm>>
    %dma_wait3A_329 = arith.constant 0 : i32
    %dma_wait3A_330 = tpu.memref_slice %arg2[%add3A_206, %dma_wait3A_329] : memref<16384x1024xf32, #tpu.memory_space<hbm>> -> memref<16x1024xf32, #tpu.memory_space<hbm>>
    tpu.wait_dma2 semaphore(%arg15 : memref<!tpu.dma_semaphore, #tpu.memory_space<semaphore_mem>>) src(%dma_wait3A_330 : memref<16x1024xf32, #tpu.memory_space<hbm>>) dst(%arg8 : memref<16x1024xf32, #tpu.memory_space<vmem>>)
    %add3A_331 = arith.constant 352 : i32
    %add3A_332 = arith.addi %add3A, %add3A_331 : i32
    %mul3A_333 = arith.constant 16 : i32
    %mul3A_334 = arith.muli %add3A_332, %mul3A_333 : i32
    %dma_start3A_335 = arith.constant 0 : i32
    %dma_start3A_336 = tpu.memref_slice %arg3[%mul3A_334, %dma_start3A_335] : memref<8192x1024xf32, #tpu.memory_space<hbm>> -> memref<16x1024xf32, #tpu.memory_space<hbm>>
    %dma_start3A_337 = arith.constant 0 : i32
    %dma_start3A_338 = tpu.memref_slice %arg3[%mul3A_334, %dma_start3A_337] : memref<8192x1024xf32, #tpu.memory_space<hbm>> -> memref<16x1024xf32, #tpu.memory_space<hbm>>
    tpu.enqueue_dma source(%arg8 : memref<16x1024xf32, #tpu.memory_space<vmem>>) target(%dma_start3A_338 : memref<16x1024xf32, #tpu.memory_space<hbm>>) target_semaphore(%arg22 : memref<!tpu.dma_semaphore, #tpu.memory_space<semaphore_mem>>)
    %dma_wait3A_339 = arith.constant 0 : i32
    %dma_wait3A_340 = tpu.memref_slice %arg2[%add3A_232, %dma_wait3A_339] : memref<16384x1024xf32, #tpu.memory_space<hbm>> -> memref<16x1024xf32, #tpu.memory_space<hbm>>
    %dma_wait3A_341 = arith.constant 0 : i32
    %dma_wait3A_342 = tpu.memref_slice %arg2[%add3A_232, %dma_wait3A_341] : memref<16384x1024xf32, #tpu.memory_space<hbm>> -> memref<16x1024xf32, #tpu.memory_space<hbm>>
    tpu.wait_dma2 semaphore(%arg16 : memref<!tpu.dma_semaphore, #tpu.memory_space<semaphore_mem>>) src(%dma_wait3A_342 : memref<16x1024xf32, #tpu.memory_space<hbm>>) dst(%arg9 : memref<16x1024xf32, #tpu.memory_space<vmem>>)
    %add3A_343 = arith.constant 384 : i32
    %add3A_344 = arith.addi %add3A, %add3A_343 : i32
    %mul3A_345 = arith.constant 16 : i32
    %mul3A_346 = arith.muli %add3A_344, %mul3A_345 : i32
    %dma_start3A_347 = arith.constant 0 : i32
    %dma_start3A_348 = tpu.memref_slice %arg3[%mul3A_346, %dma_start3A_347] : memref<8192x1024xf32, #tpu.memory_space<hbm>> -> memref<16x1024xf32, #tpu.memory_space<hbm>>
    %dma_start3A_349 = arith.constant 0 : i32
    %dma_start3A_350 = tpu.memref_slice %arg3[%mul3A_346, %dma_start3A_349] : memref<8192x1024xf32, #tpu.memory_space<hbm>> -> memref<16x1024xf32, #tpu.memory_space<hbm>>
    tpu.enqueue_dma source(%arg9 : memref<16x1024xf32, #tpu.memory_space<vmem>>) target(%dma_start3A_350 : memref<16x1024xf32, #tpu.memory_space<hbm>>) target_semaphore(%arg23 : memref<!tpu.dma_semaphore, #tpu.memory_space<semaphore_mem>>)
    %dma_wait3A_351 = arith.constant 0 : i32
    %dma_wait3A_352 = tpu.memref_slice %arg2[%add3A_258, %dma_wait3A_351] : memref<16384x1024xf32, #tpu.memory_space<hbm>> -> memref<16x1024xf32, #tpu.memory_space<hbm>>
    %dma_wait3A_353 = arith.constant 0 : i32
    %dma_wait3A_354 = tpu.memref_slice %arg2[%add3A_258, %dma_wait3A_353] : memref<16384x1024xf32, #tpu.memory_space<hbm>> -> memref<16x1024xf32, #tpu.memory_space<hbm>>
    tpu.wait_dma2 semaphore(%arg17 : memref<!tpu.dma_semaphore, #tpu.memory_space<semaphore_mem>>) src(%dma_wait3A_354 : memref<16x1024xf32, #tpu.memory_space<hbm>>) dst(%arg10 : memref<16x1024xf32, #tpu.memory_space<vmem>>)
    %add3A_355 = arith.constant 416 : i32
    %add3A_356 = arith.addi %add3A, %add3A_355 : i32
    %mul3A_357 = arith.constant 16 : i32
    %mul3A_358 = arith.muli %add3A_356, %mul3A_357 : i32
    %dma_start3A_359 = arith.constant 0 : i32
    %dma_start3A_360 = tpu.memref_slice %arg3[%mul3A_358, %dma_start3A_359] : memref<8192x1024xf32, #tpu.memory_space<hbm>> -> memref<16x1024xf32, #tpu.memory_space<hbm>>
    %dma_start3A_361 = arith.constant 0 : i32
    %dma_start3A_362 = tpu.memref_slice %arg3[%mul3A_358, %dma_start3A_361] : memref<8192x1024xf32, #tpu.memory_space<hbm>> -> memref<16x1024xf32, #tpu.memory_space<hbm>>
    tpu.enqueue_dma source(%arg10 : memref<16x1024xf32, #tpu.memory_space<vmem>>) target(%dma_start3A_362 : memref<16x1024xf32, #tpu.memory_space<hbm>>) target_semaphore(%arg24 : memref<!tpu.dma_semaphore, #tpu.memory_space<semaphore_mem>>)
    %dma_wait3A_363 = arith.constant 0 : i32
    %dma_wait3A_364 = tpu.memref_slice %arg2[%add3A_284, %dma_wait3A_363] : memref<16384x1024xf32, #tpu.memory_space<hbm>> -> memref<16x1024xf32, #tpu.memory_space<hbm>>
    %dma_wait3A_365 = arith.constant 0 : i32
    %dma_wait3A_366 = tpu.memref_slice %arg2[%add3A_284, %dma_wait3A_365] : memref<16384x1024xf32, #tpu.memory_space<hbm>> -> memref<16x1024xf32, #tpu.memory_space<hbm>>
    tpu.wait_dma2 semaphore(%arg11 : memref<!tpu.dma_semaphore, #tpu.memory_space<semaphore_mem>>) src(%dma_wait3A_366 : memref<16x1024xf32, #tpu.memory_space<hbm>>) dst(%arg4 : memref<16x1024xf32, #tpu.memory_space<vmem>>)
    %add3A_367 = arith.constant 448 : i32
    %add3A_368 = arith.addi %add3A, %add3A_367 : i32
    %mul3A_369 = arith.constant 16 : i32
    %mul3A_370 = arith.muli %add3A_368, %mul3A_369 : i32
    %dma_start3A_371 = arith.constant 0 : i32
    %dma_start3A_372 = tpu.memref_slice %arg3[%mul3A_370, %dma_start3A_371] : memref<8192x1024xf32, #tpu.memory_space<hbm>> -> memref<16x1024xf32, #tpu.memory_space<hbm>>
    %dma_start3A_373 = arith.constant 0 : i32
    %dma_start3A_374 = tpu.memref_slice %arg3[%mul3A_370, %dma_start3A_373] : memref<8192x1024xf32, #tpu.memory_space<hbm>> -> memref<16x1024xf32, #tpu.memory_space<hbm>>
    tpu.enqueue_dma source(%arg4 : memref<16x1024xf32, #tpu.memory_space<vmem>>) target(%dma_start3A_374 : memref<16x1024xf32, #tpu.memory_space<hbm>>) target_semaphore(%arg18 : memref<!tpu.dma_semaphore, #tpu.memory_space<semaphore_mem>>)
    %dma_wait3A_375 = arith.constant 0 : i32
    %dma_wait3A_376 = tpu.memref_slice %arg2[%add3A_310, %dma_wait3A_375] : memref<16384x1024xf32, #tpu.memory_space<hbm>> -> memref<16x1024xf32, #tpu.memory_space<hbm>>
    %dma_wait3A_377 = arith.constant 0 : i32
    %dma_wait3A_378 = tpu.memref_slice %arg2[%add3A_310, %dma_wait3A_377] : memref<16384x1024xf32, #tpu.memory_space<hbm>> -> memref<16x1024xf32, #tpu.memory_space<hbm>>
    tpu.wait_dma2 semaphore(%arg12 : memref<!tpu.dma_semaphore, #tpu.memory_space<semaphore_mem>>) src(%dma_wait3A_378 : memref<16x1024xf32, #tpu.memory_space<hbm>>) dst(%arg5 : memref<16x1024xf32, #tpu.memory_space<vmem>>)
    %add3A_379 = arith.constant 480 : i32
    %add3A_380 = arith.addi %add3A, %add3A_379 : i32
    %mul3A_381 = arith.constant 16 : i32
    %mul3A_382 = arith.muli %add3A_380, %mul3A_381 : i32
    %dma_start3A_383 = arith.constant 0 : i32
    %dma_start3A_384 = tpu.memref_slice %arg3[%mul3A_382, %dma_start3A_383] : memref<8192x1024xf32, #tpu.memory_space<hbm>> -> memref<16x1024xf32, #tpu.memory_space<hbm>>
    %dma_start3A_385 = arith.constant 0 : i32
    %dma_start3A_386 = tpu.memref_slice %arg3[%mul3A_382, %dma_start3A_385] : memref<8192x1024xf32, #tpu.memory_space<hbm>> -> memref<16x1024xf32, #tpu.memory_space<hbm>>
    tpu.enqueue_dma source(%arg5 : memref<16x1024xf32, #tpu.memory_space<vmem>>) target(%dma_start3A_386 : memref<16x1024xf32, #tpu.memory_space<hbm>>) target_semaphore(%arg19 : memref<!tpu.dma_semaphore, #tpu.memory_space<semaphore_mem>>)
    %dma_wait3A_387 = arith.constant 0 : i32
    %dma_wait3A_388 = tpu.memref_slice %arg3[%mul3A_296, %dma_wait3A_387] : memref<8192x1024xf32, #tpu.memory_space<hbm>> -> memref<16x1024xf32, #tpu.memory_space<hbm>>
    %dma_wait3A_389 = arith.constant 0 : i32
    %dma_wait3A_390 = tpu.memref_slice %arg3[%mul3A_296, %dma_wait3A_389] : memref<8192x1024xf32, #tpu.memory_space<hbm>> -> memref<16x1024xf32, #tpu.memory_space<hbm>>
    tpu.wait_dma2 semaphore(%arg20 : memref<!tpu.dma_semaphore, #tpu.memory_space<semaphore_mem>>) src(%arg6 : memref<16x1024xf32, #tpu.memory_space<vmem>>) dst(%dma_wait3A_390 : memref<16x1024xf32, #tpu.memory_space<hbm>>)
    %dma_wait3A_391 = arith.constant 0 : i32
    %dma_wait3A_392 = tpu.memref_slice %arg3[%mul3A_322, %dma_wait3A_391] : memref<8192x1024xf32, #tpu.memory_space<hbm>> -> memref<16x1024xf32, #tpu.memory_space<hbm>>
    %dma_wait3A_393 = arith.constant 0 : i32
    %dma_wait3A_394 = tpu.memref_slice %arg3[%mul3A_322, %dma_wait3A_393] : memref<8192x1024xf32, #tpu.memory_space<hbm>> -> memref<16x1024xf32, #tpu.memory_space<hbm>>
    tpu.wait_dma2 semaphore(%arg21 : memref<!tpu.dma_semaphore, #tpu.memory_space<semaphore_mem>>) src(%arg7 : memref<16x1024xf32, #tpu.memory_space<vmem>>) dst(%dma_wait3A_394 : memref<16x1024xf32, #tpu.memory_space<hbm>>)
    %dma_wait3A_395 = arith.constant 0 : i32
    %dma_wait3A_396 = tpu.memref_slice %arg3[%mul3A_334, %dma_wait3A_395] : memref<8192x1024xf32, #tpu.memory_space<hbm>> -> memref<16x1024xf32, #tpu.memory_space<hbm>>
    %dma_wait3A_397 = arith.constant 0 : i32
    %dma_wait3A_398 = tpu.memref_slice %arg3[%mul3A_334, %dma_wait3A_397] : memref<8192x1024xf32, #tpu.memory_space<hbm>> -> memref<16x1024xf32, #tpu.memory_space<hbm>>
    tpu.wait_dma2 semaphore(%arg22 : memref<!tpu.dma_semaphore, #tpu.memory_space<semaphore_mem>>) src(%arg8 : memref<16x1024xf32, #tpu.memory_space<vmem>>) dst(%dma_wait3A_398 : memref<16x1024xf32, #tpu.memory_space<hbm>>)
    %dma_wait3A_399 = arith.constant 0 : i32
    %dma_wait3A_400 = tpu.memref_slice %arg3[%mul3A_346, %dma_wait3A_399] : memref<8192x1024xf32, #tpu.memory_space<hbm>> -> memref<16x1024xf32, #tpu.memory_space<hbm>>
    %dma_wait3A_401 = arith.constant 0 : i32
    %dma_wait3A_402 = tpu.memref_slice %arg3[%mul3A_346, %dma_wait3A_401] : memref<8192x1024xf32, #tpu.memory_space<hbm>> -> memref<16x1024xf32, #tpu.memory_space<hbm>>
    tpu.wait_dma2 semaphore(%arg23 : memref<!tpu.dma_semaphore, #tpu.memory_space<semaphore_mem>>) src(%arg9 : memref<16x1024xf32, #tpu.memory_space<vmem>>) dst(%dma_wait3A_402 : memref<16x1024xf32, #tpu.memory_space<hbm>>)
    %dma_wait3A_403 = arith.constant 0 : i32
    %dma_wait3A_404 = tpu.memref_slice %arg3[%mul3A_358, %dma_wait3A_403] : memref<8192x1024xf32, #tpu.memory_space<hbm>> -> memref<16x1024xf32, #tpu.memory_space<hbm>>
    %dma_wait3A_405 = arith.constant 0 : i32
    %dma_wait3A_406 = tpu.memref_slice %arg3[%mul3A_358, %dma_wait3A_405] : memref<8192x1024xf32, #tpu.memory_space<hbm>> -> memref<16x1024xf32, #tpu.memory_space<hbm>>
    tpu.wait_dma2 semaphore(%arg24 : memref<!tpu.dma_semaphore, #tpu.memory_space<semaphore_mem>>) src(%arg10 : memref<16x1024xf32, #tpu.memory_space<vmem>>) dst(%dma_wait3A_406 : memref<16x1024xf32, #tpu.memory_space<hbm>>)
    %dma_wait3A_407 = arith.constant 0 : i32
    %dma_wait3A_408 = tpu.memref_slice %arg3[%mul3A_370, %dma_wait3A_407] : memref<8192x1024xf32, #tpu.memory_space<hbm>> -> memref<16x1024xf32, #tpu.memory_space<hbm>>
    %dma_wait3A_409 = arith.constant 0 : i32
    %dma_wait3A_410 = tpu.memref_slice %arg3[%mul3A_370, %dma_wait3A_409] : memref<8192x1024xf32, #tpu.memory_space<hbm>> -> memref<16x1024xf32, #tpu.memory_space<hbm>>
    tpu.wait_dma2 semaphore(%arg18 : memref<!tpu.dma_semaphore, #tpu.memory_space<semaphore_mem>>) src(%arg4 : memref<16x1024xf32, #tpu.memory_space<vmem>>) dst(%dma_wait3A_410 : memref<16x1024xf32, #tpu.memory_space<hbm>>)
    %dma_wait3A_411 = arith.constant 0 : i32
    %dma_wait3A_412 = tpu.memref_slice %arg3[%mul3A_382, %dma_wait3A_411] : memref<8192x1024xf32, #tpu.memory_space<hbm>> -> memref<16x1024xf32, #tpu.memory_space<hbm>>
    %dma_wait3A_413 = arith.constant 0 : i32
    %dma_wait3A_414 = tpu.memref_slice %arg3[%mul3A_382, %dma_wait3A_413] : memref<8192x1024xf32, #tpu.memory_space<hbm>> -> memref<16x1024xf32, #tpu.memory_space<hbm>>
    tpu.wait_dma2 semaphore(%arg19 : memref<!tpu.dma_semaphore, #tpu.memory_space<semaphore_mem>>) src(%arg5 : memref<16x1024xf32, #tpu.memory_space<vmem>>) dst(%dma_wait3A_414 : memref<16x1024xf32, #tpu.memory_space<hbm>>)
    return
  }
}

</mosaic_0001>

<sc_bundles>
// kernel: kernel.3.cloned.1.call-start
scs
__scs_entry_jumppad:
0x0: {  	(pc) =	sbr.rel $0x88, $3  }
0x1: {  	(tag) =	ssettag $0x0;
	lr =	simm.s32 $0x1  }
0x2: {  	[smem:$0x3FA0] =	sst lr;
	_ =	strace $0xD0000000  }
0x3: {  	_ = 	snop  }
0x4: {  	_ = 	snop  }
0x5: {  	_ = 	snop  }
0x6: {  	_ = 	snop  }
0x7: {  	_ = 	snop  }
__scs_overlays_trampoline_lowered:
0x8: {  	[smem:$0x3FAF] =	sst s0  }
0x9: {  	[smem:$0x3FB0] =	sst s1  }
0xa: {  	[smem:$0x3FB1] =	sst s2  }
0xb: {  	[smem:$0x3FB2] =	sst s3  }
0xc: {  	[smem:$0x3FB3] =	sst s4  }
0xd: {  	[smem:$0x3FB4] =	sst s5  }
0xe: {  	[smem:$0x3FB5] =	sst s6  }
0xf: {  	[smem:$0x3FB6] =	sst s7  }
0x10: {  	[smem:$0x3FB7] =	sst s8  }
0x11: {  	[smem:$0x3FB8] =	sst s9;
	s0 =	simm.s32 @!p0 $0x0  }
0x12: {  	s1 =	sld [smem:$0x3F9E];
	s0 =	simm.s32 @p0 $0x1  }
0x13: {  	[smem:$0x3FB9] =	sst s0;
	s0 =	simm.s32 @!p1 $0x0  }
0x14: {  	s2 =	sld [smem:$0x3F9D];
	s0 =	simm.s32 @p1 $0x1  }
0x15: {  	[smem:$0x3FBA] =	sst s0;
	s0 =	simm.s32 @!p2 $0x0  }
0x16: {  	s3 =	sld [smem:$0x3FDB];
	s0 =	simm.s32 @p2 $0x1  }
0x17: {  	s4 =	simm.s32 $0x1BF5;
	[smem:$0x3FBC] =	sst s0  }
0x18: {  	s0 =	sld [smem:$0x3F9F];
	_ =	swait.ge [sflag:s4], $0x0  }
0x19: {  	s7 =	sld [smem:$0x3FA0]  }
0x1a: {  	s8 =	sadd.s32 $0xFFFFE003, lr  }
0x1b: {  	s9 =	sadd.s32 $0xFFFFFEF7, lr;
	s5 =	simm.s32 $0xFFFFFFFF;
	p2 =	slt.u32 s8, $0xFFFFF086  }
0x1c: {  	p1 =	slt.u32 s9, $0xF7A;
	s5 =	simm.s32 @!p2 $0x0  }
0x1d: {  	s5 =	simm.s32 @p1 $0x1;
	p0 =	seq.s32 s7, s2  }
0x1e: {  	s7 =	smul.u32 @!p0 $0xF7A, s2;
	p2 =	seq.s32 @!p0 s5, $0x0  }
0x1f: {  	s9 =	smul.u32 $0xF7A, s1;
	s8 =	simm.s32 @!p0 $0x1BF5;
	p2 =	por !p2, p0  }
0x20: {  	[sflag:s8] =	ssyncset.s32 @!p0 $0xFFFFF086;
	s6 =	sadd.s32 @!p0 s3, s7;
	s7 =	simm.s32 @!p0 $0x108  }
0x21: {  	s3 =	sadd.s32 s3, s9;
	s6 =	sadd.s32 @!p0 $0x88, s6;
	s7 =	simm.s32 @p2 $0x1082  }
0x22: {  	[simem:s7], [sflag:s8] =	dma.local @!p0 [hbm:s6], $0xF7A  }
0x23: {  	s9 =	sor.u32 $0xD0000000, s2;
	s6 =	simm.s32 $0x108;
	_ =	swait.ge @!p0 [sflag:s8], $0x0  }
0x24: {  	s3 =	sadd.s32 $0x88, s3;
	s6 =	simm.s32 @!p1 $0x1082;
	[sflag:s4] =	ssyncset.s32 $0xFFFFF086  }
0x25: {  	[simem:s6], [sflag:s4] =	dma.local [hbm:s3], $0xF7A  }
0x26: {  	[smem:$0x3FA0] =	sst s1;
	(tag) =	ssettag s2;
	_ =	strace s9  }
0x27: {  	s1 =	sld [smem:$0x3FB0]  }
0x28: {  	s2 =	sld [smem:$0x3FB1]  }
0x29: {  	s4 =	sld [smem:$0x3FB3]  }
0x2a: {  	p0 =	seq.s32 s5, $0x0;
	s5 =	sld [smem:$0x3FB4]  }
0x2b: {  	s6 =	sld [smem:$0x3FB5]  }
0x2c: {  	s7 =	sld [smem:$0x3FB6]  }
0x2d: {  	s3 =	simm.s32 $0x108;
	s8 =	sld [smem:$0x3FB7]  }
0x2e: {  	s3 =	simm.s32 @!p0 $0x1082;
	s9 =	sld [smem:$0x3FB8]  }
0x2f: {  	lr =	sadd.s32 s0, s3;
	s0 =	sld [smem:$0x3FAF]  }
0x30: {  	s3 =	sld [smem:$0x3FB2]  }
0x31: {  	[smem:$0x3FBB] =	sst s10  }
0x32: {  	s10 =	sld [smem:$0x3FB9];
	_ =	sdelay $0x3  }
0x33: {  	p0 =	seq.s32 s10, $0x1;
	s10 =	sld [smem:$0x3FBB];
	_ =	sdelay $0x3  }
0x34: {  	[smem:$0x3FBB] =	sst s10  }
0x35: {  	s10 =	sld [smem:$0x3FBA];
	_ =	sdelay $0x3  }
0x36: {  	p1 =	seq.s32 s10, $0x1;
	s10 =	sld [smem:$0x3FBB];
	_ =	sdelay $0x3  }
0x37: {  	[smem:$0x3FBB] =	sst s10  }
0x38: {  	s10 =	sld [smem:$0x3FBC]  }
0x39: {  	_ = 	snop;
	(pc) =	sbr.ind lr, $3  }
0x3a: {  	_ = 	snop  }
0x3b: {  	_ = 	snop  }
0x3c: {  	p2 =	seq.s32 s10, $0x1;
	s10 =	sld [smem:$0x3FBB]  }
0x3d: {  	_ =	shalt  }
0x3e: {  	_ =	shalt  }
0x3f: {  	_ =	shalt  }
0x40: {  	_ =	shalt  }
0x41: {  	_ =	shalt  }
0x42: {  	_ =	shalt  }
0x43: {  	_ =	shalt  }
0x44: {  	_ =	shalt  }
0x45: {  	_ =	shalt  }
0x46: {  	_ =	shalt  }
0x47: {  	_ =	shalt  }
0x48: {  	_ =	shalt  }
0x49: {  	_ =	shalt  }
0x4a: {  	_ =	shalt  }
0x4b: {  	_ =	shalt  }
0x4c: {  	_ =	shalt  }
0x4d: {  	_ =	shalt  }
0x4e: {  	_ =	shalt  }
0x4f: {  	_ =	shalt  }
0x50: {  	_ =	shalt  }
0x51: {  	_ =	shalt  }
0x52: {  	_ =	shalt  }
0x53: {  	_ =	shalt  }
0x54: {  	_ =	shalt  }
0x55: {  	_ =	shalt  }
0x56: {  	_ =	shalt  }
0x57: {  	_ =	shalt  }
0x58: {  	_ =	shalt  }
0x59: {  	_ =	shalt  }
0x5a: {  	_ =	shalt  }
0x5b: {  	_ =	shalt  }
0x5c: {  	_ =	shalt  }
0x5d: {  	_ =	shalt  }
0x5e: {  	_ =	shalt  }
0x5f: {  	_ =	shalt  }
0x60: {  	_ =	shalt  }
0x61: {  	_ =	shalt  }
0x62: {  	_ =	shalt  }
0x63: {  	_ =	shalt  }
0x64: {  	_ =	shalt  }
0x65: {  	_ =	shalt  }
0x66: {  	_ =	shalt  }
0x67: {  	_ =	shalt  }
0x68: {  	_ =	shalt  }
0x69: {  	_ =	shalt  }
0x6a: {  	_ =	shalt  }
0x6b: {  	_ =	shalt  }
0x6c: {  	_ =	shalt  }
0x6d: {  	_ =	shalt  }
0x6e: {  	_ =	shalt  }
0x6f: {  	_ =	shalt  }
0x70: {  	_ =	shalt  }
0x71: {  	_ =	shalt  }
0x72: {  	_ =	shalt  }
0x73: {  	_ =	shalt  }
0x74: {  	_ =	shalt  }
0x75: {  	_ =	shalt  }
0x76: {  	_ =	shalt  }
0x77: {  	_ =	shalt  }
0x78: {  	_ =	shalt  }
0x79: {  	_ =	shalt  }
0x7a: {  	_ =	shalt  }
0x7b: {  	_ =	shalt  }
0x7c: {  	_ =	shalt  }
0x7d: {  	_ =	shalt  }
0x7e: {  	_ =	shalt  }
0x7f: {  	_ =	shalt  }
0x80: {  	_ =	shalt  }
0x81: {  	_ =	shalt  }
0x82: {  	_ =	shalt  }
0x83: {  	_ =	shalt  }
0x84: {  	_ =	shalt  }
0x85: {  	_ =	shalt  }
0x86: {  	_ =	shalt  }
0x87: {  	_ =	shalt  }
.Lfunc_end0:
.L_simem_size_0:
called_computation_lowered:
.L_overlay_start_0:
0x88: {  	s2 =	sld [smem:$0x3FD9]  }
0x89: {  	s3 =	sld [smem:$0x3FFE];
	_ =	sdelay $0x1  }
0x8a: {  	s1 =	srdreg.scid  }
0x8b: {  	s0 =	sand.u32 $0x1, s1  }
0x8c: {  	s18 =	sshll.u32 s0, $0xA;
	s2 =	sadd.s32 s3, s2  }
0x8d: {  	s2 =	sadd.s32 s2, s18  }
0x8e: {  	[smem:$0x3FC7] =	sst s2  }
0x8f: {  	_ = 	snop  }
0x90: {  	s2 =	sld [smem:$0x3FC9]  }
0x91: {  	s19 =	sld [smem:$0x3FD0];
	(tm) =	ssettm $0x1  }
0x92: {  	s4 =	sld [smem:$0x3FFB];
	_ =	sdelay $0x3  }
0x93: {  	_ =	strace s4  }
0x94: {  	s4 =	sld [smem:$0x3FFC];
	_ =	sdelay $0x3  }
0x95: {  	_ =	strace s4  }
0x96: {  	s4 =	sld [smem:$0x3FFD];
	_ =	sdelay $0x3  }
0x97: {  	_ =	strace s4  }
0x98: {  	_ =	strace $0x8FFFFFFF  }
0x99: {  	s20 =	sld [smem:$0x3FDB];
	_ =	sdelay $0x1  }
0x9a: {  	s5 =	simm.s32 $_scs_section_size  }
0x9b: {  	s6 =	simm.s32 $_size__tile_overlayer_lowered;
	s7 =	simm.s32 $_tile_overlayer_lowered  }
0x9c: {  	s23 =	simm.s32 $0x1BFF;
	s22 =	sshll.u32 s7, $0x1;
	s4 =	sadd.s32 s5, s20  }
0x9d: {  	s8 =	simm.s32 $0x0;
	s21 =	sshll.u32 s6, $0x1;
	s6 =	sadd.s32 s22, s4  }
0x9e: {  	[timem:s8], [sflag:s23] =	dma.local [hbm:s6], s21  }
0x9f: {  	_ =	swait.ge [sflag:s23], s21  }
0xa0: {  	s5 =	ssub.s32 $0x0, s21;
	[sflag:s23] =	ssyncset.done $0x0  }
0xa1: {  	[sflag:s23] =	ssyncadd.s32 s5;
	_ =	sdelay $0x1  }
0xa2: {  	s24 =	simm.s32 $0x1B8B  }
0xa3: {  	_ =	swait.ge [sflag:s24], $0x1  }
0xa4: {  	[sflag:s24] =	ssyncset.done $0x0  }
0xa5: {  	s25 =	simm.s32 $0x1B8E;
	[sflag:s24] =	ssyncadd.s32 $0xFFFFFFFF  }
0xa6: {  	s26 =	simm.s32 $execute0_lowered;
	[smem:$0x3FD2] =	sst s25  }
0xa7: {  	s5 =	sshll.u32 s26, $0x1;
	_ =	strace $0x80000046;
	[dreg:$0x1] =	wrdreg $0xFFFFFFFF  }
0xa8: {  	s28 =	simm.s32 $_size_execute0_lowered;
	s4 =	sadd.s32 s4, s5;
	[dreg:$0x0] =	wrdreg $0x0  }
0xa9: {  	s5 =	sshll.u32 s28, $0x1;
	[dreg:$0x2] =	wrdreg s4  }
0xaa: {  	[dreg:$0x3] =	wrdreg s5  }
0xab: {  	[dreg:$0x4] =	wrdreg $0xC0  }
0xac: {  	_ =	task [dreg:s8], $0x5FFFF  }
0xad: {  	[dreg:$0x1] =	wrdreg $0xFFFFFFFF  }
0xae: {  	[dreg:$0x0] =	wrdreg $0x60  }
0xaf: {  	[dreg:$0x2] =	wrdreg s2  }
0xb0: {  	[dreg:$0x3] =	wrdreg s19  }
0xb1: {  	[dreg:$0x4] =	wrdreg $0x9  }
0xb2: {  	_ =	task.clear_ibuf [dreg:s8], $0x5FFFF;
	_ =	strace $0x90000046  }
0xb3: {  	s29 =	simm.s32 $0x9;
	_ =	strace $0x80000048  }
0xb4: {  	_ =	swait.ge [sflag:s29], $0x1  }
0xb5: {  	[sflag:s29] =	ssyncadd.s32 $0xFFFFFFFF  }
0xb6: {  	_ =	strace $0x90000048  }
0xb7: {  	_ =	sfence  }
0xb8: {  	s30 =	sld [smem:$0x0];
	_ =	sdelay $0x2  }
0xb9: {  	s31 =	sshll.u32 s1, $0xD;
	s1 =	sshrl.u32 s1, $0x2  }
0xba: {  	s3 =	sand.u32 $0x4000, s31;
	s1 =	sadd.s32 s1, s30  }
0xbb: {  	s0 =	sor.u32 s3, s0;
	s1 =	sshll.u32 s1, $0x11  }
0xbc: {  	s0 =	sor.u32 s1, s0  }
0xbd: {  	s0 =	sadd.s32 $0x8F2B, s0  }
0xbe: {  	[sflag:s0] =	ssyncadd.remote.s32 $0x1  }
0xbf: {  	_ =	sfence.sel $0xFFFF  }
0xc0: {  	[dreg:$0x0] =	wrdreg $0xFFFFFFFF;
	(pc) =	sbr.abs _section_cstart, $3  }
0xc1: {  	[dreg:$0x1] =	wrdreg $0xFFFFFFFF  }
0xc2: {  	_ =	task.clear_ibuf [dreg:s8], $0x2FFFF;
	_ =	strace $0x9FFFFFFF  }
0xc3: {  	(tm) =	ssettm $0x7FFFFFFF  }
tec
execute0_lowered:
.L_overlay_start_1:
0x0: {  	(tag) =	ssettag $0x1  }
0x1: {  	s0 =	srdreg.scid  }
0x2: {  	s2 =	stileid.u32;
	s0 =	sand.u32 $0x1, s0  }
0x3: {  	s3 =	rddreg [dreg:$0x0];
	s4 =	sshll.u32 s2, $0xC;
	s5 =	sshll.u32 s0, $0xB  }
0x4: {  	s1 =	rddreg [dreg:$0x1];
	s2 =	simm.s32 $0x0;
	s4 =	sor.u32 s5, s4  }
0x5: {  	[smem:$0x7FF] =	sst s2;
	s5 =	sor.u32 $0x80000, s4  }
0x6: {  	_ =	strace $0x80000047;
	s7 =	sor.u32 $0x90000, s4;
	s6 =	sadd.s32 s3, s5  }
0x7: {  	s8 =	sor.u32 $0xA0000, s4;
	s18 =	sadd.s32 s3, s7;
	[dreg:$0x3] =	wrdreg s6  }
0x8: {  	s9 =	sor.u32 $0xB0000, s4;
	s19 =	sadd.s32 s3, s8;
	[dreg:$0x4] =	wrdreg s18  }
0x9: {  	s10 =	sor.u32 $0xC0000, s4;
	s20 =	sadd.s32 s3, s9;
	[dreg:$0x5] =	wrdreg s19  }
0xa: {  	s11 =	sor.u32 $0xD0000, s4;
	s21 =	sadd.s32 s3, s10;
	[dreg:$0x6] =	wrdreg s20  }
0xb: {  	s12 =	sor.u32 $0xE0000, s4;
	s22 =	sadd.s32 s3, s11;
	[dreg:$0x7] =	wrdreg s21  }
0xc: {  	s31 =	sadd.s32 s1, s4;
	s23 =	sadd.s32 s3, s12;
	[dreg:$0x8] =	wrdreg s22  }
0xd: {  	s13 =	sor.u32 $0xF0000, s4;
	s24 =	sadd.s32 $0x10000, s31;
	[dreg:$0x9] =	wrdreg s23  }
0xe: {  	s25 =	sadd.s32 s3, s13;
	[dreg:$0xa] =	wrdreg s24  }
0xf: {  	s26 =	sadd.s32 $0x20000, s31;
	[dreg:$0xb] =	wrdreg s25  }
0x10: {  	s30 =	simm.s32 $0x3;
	s15 =	sadd.s32 $0x40000, s31;
	[dreg:$0xc] =	wrdreg s26  }
0x11: {  	s3 =	sadd.s32 s4, s3;
	s17 =	sadd.s32 $0x50000, s31;
	[dreg:$0x10] =	wrdreg s15  }
0x12: {  	s29 =	simm.s32 $0x4;
	s4 =	sadd.s32 $0x100000, s3;
	[dreg:$0x12] =	wrdreg s17  }
0x13: {  	p0 =	por $0x0, $0x0;
	s6 =	sadd.s32 $0x30000, s31;
	[dreg:$0xd] =	wrdreg s4  }
0x14: {  	s28 =	simm.s32 $0x6;
	s14 =	sadd.s32 $0x110000, s3;
	[dreg:$0xe] =	wrdreg s6  }
0x15: {  	s0 =	ssub.s32 $0x2, s0;
	s16 =	sadd.s32 $0x120000, s3;
	[dreg:$0xf] =	wrdreg s14  }
0x16: {  	s18 =	sadd.s32 $0x130000, s3;
	s19 =	sadd.s32 $0x60000, s31;
	[dreg:$0x11] =	wrdreg s16  }
0x17: {  	s20 =	sadd.s32 $0x140000, s3;
	s21 =	sadd.s32 $0x70000, s31;
	[dreg:$0x13] =	wrdreg s18  }
0x18: {  	s22 =	sadd.s32 $0x150000, s3;
	s23 =	sadd.s32 s1, s5;
	[dreg:$0x14] =	wrdreg s19  }
0x19: {  	s24 =	sshrl.u32 s0, $0x1;
	s25 =	sadd.s32 $0x160000, s3;
	[dreg:$0x15] =	wrdreg s20  }
0x1a: {  	s26 =	sadd.s32 s1, s7;
	s7 =	sadd.s32 s1, s12;
	[dreg:$0x16] =	wrdreg s21  }
0x1b: {  	s5 =	sadd.s32 s1, s13;
	s15 =	simm.s32 $0x1;
	[dreg:$0x17] =	wrdreg s22  }
0x1c: {  	s12 =	simm.s32 $0xA;
	s17 =	simm.s32 $0xB;
	[dreg:$0x18] =	wrdreg s23  }
0x1d: {  	s13 =	simm.s32 $0xD;
	s0 =	ssub.s32 s0, s24;
	[dreg:$0x19] =	wrdreg s25  }
0x1e: {  	[dreg:$0x1a] =	wrdreg s26;
	s20 =	sadd.s32 $0x170000, s3;
	s18 =	sadd.s32 s1, s8  }
0x1f: {  	s14 =	sadd.s32 s1, s9;
	s9 =	sadd.s32 s1, s10;
	s0 =	smax.u32 s0, $0x1  }
0x20: {  	s8 =	sadd.s32 s1, s11;
	s6 =	simm.s32 $0x4000;
	p1 =	sne.s32 s0, $0x1  }
.Ltmp0:
0x21: {  	s24 =	simm.s32 $0x8000;
	s23 =	simm.s32 $0xC000;
	(pc) =	sbr.rel @!p1 .LBB2_3-.Ltmp0, $4  }
0x22: {  	s22 =	simm.s32 $0x10000;
	s21 =	simm.s32 $0x14000;
	s19 =	simm.s32 $0x18000  }
0x23: {  	s11 =	simm.s32 $0x2;
	s4 =	simm.s32 $0x8;
	s3 =	simm.s32 $0x9  }
0x24: {  	s26 =	simm.s32 $0x5;
	s16 =	simm.s32 $0xC;
	s25 =	simm.s32 $0x7  }
0x25: {  	s10 =	simm.s32 $0xE;
	s1 =	sadd.s32 $0xFFFFFFFF, s0;
	s0 =	rddreg [dreg:$0x3]  }
0x26: {  	[dreg:$0x1b] =	wrdreg s1  }
0x27: {  	[tilespmem:s2], [sflag:$0x1] =	stream.linear.gather [hbm4b:s0+s2], $0x4000, $0x38;
	[tilespmem:$0x1C000] =	vst v63  }
0x28: {  	s1 =	rddreg [dreg:$0x4]  }
0x29: {  	[tilespmem:s6], [sflag:$0x2] =	stream.linear.gather [hbm4b:s1+s2], $0x4000, $0x38;
	[tilespmem:$0x1C000] =	vst v63  }
0x2a: {  	s0 =	rddreg [dreg:$0x5]  }
0x2b: {  	[tilespmem:s24], [sflag:$0x3] =	stream.linear.gather [hbm4b:s0+s2], $0x4000, $0x38;
	[tilespmem:$0x1C000] =	vst v63  }
0x2c: {  	s1 =	rddreg [dreg:$0x6]  }
0x2d: {  	[tilespmem:s23], [sflag:$0x4] =	stream.linear.gather [hbm4b:s1+s2], $0x4000, $0x38;
	[tilespmem:$0x1C000] =	vst v63  }
0x2e: {  	s0 =	rddreg [dreg:$0x7]  }
0x2f: {  	[tilespmem:s22], [sflag:$0x5] =	stream.linear.gather [hbm4b:s0+s2], $0x4000, $0x38;
	[tilespmem:$0x1C000] =	vst v63  }
0x30: {  	s1 =	rddreg [dreg:$0x8]  }
0x31: {  	[tilespmem:s21], [sflag:$0x6] =	stream.linear.gather [hbm4b:s1+s2], $0x4000, $0x38;
	[tilespmem:$0x1C000] =	vst v63  }
0x32: {  	_ =	swait.ge [sflag:s15], $0x4000  }
0x33: {  	[sflag:s15] =	ssyncset.done $0x0  }
0x34: {  	[sflag:s15] =	ssyncadd.s32 $0xFFFFC000  }
0x35: {  	[hbm4b:s31+s2] =	stream.linear.scatter [tilespmem:s2], [sflag:$0x8], $0x4000, $0x38;
	[tilespmem:$0x1C000] =	vst v63  }
0x36: {  	s1 =	rddreg [dreg:$0x9]  }
0x37: {  	[tilespmem:s19], [sflag:$0x7] =	stream.linear.gather [hbm4b:s1+s2], $0x4000, $0x38;
	[tilespmem:$0x1C000] =	vst v63  }
0x38: {  	_ =	swait.ge [sflag:s11], $0x4000  }
0x39: {  	[sflag:s11] =	ssyncset.done $0x0  }
0x3a: {  	s1 =	rddreg [dreg:$0xa];
	[sflag:s11] =	ssyncadd.s32 $0xFFFFC000  }
0x3b: {  	[hbm4b:s1+s2] =	stream.linear.scatter [tilespmem:s6], [sflag:$0x9], $0x4000, $0x38;
	[tilespmem:$0x1C000] =	vst v63  }
0x3c: {  	_ =	swait.ge [sflag:s4], $0x4000  }
0x3d: {  	[sflag:s4] =	ssyncset.done $0x0  }
0x3e: {  	s1 =	rddreg [dreg:$0xb];
	[sflag:s4] =	ssyncadd.s32 $0xFFFFC000  }
0x3f: {  	[tilespmem:s2], [sflag:$0x1] =	stream.linear.gather [hbm4b:s1+s2], $0x4000, $0x38;
	[tilespmem:$0x1C000] =	vst v63  }
0x40: {  	_ =	swait.ge [sflag:s30], $0x4000  }
0x41: {  	[sflag:s30] =	ssyncset.done $0x0  }
0x42: {  	s1 =	rddreg [dreg:$0xc];
	[sflag:s30] =	ssyncadd.s32 $0xFFFFC000  }
0x43: {  	[hbm4b:s1+s2] =	stream.linear.scatter [tilespmem:s24], [sflag:$0xA], $0x4000, $0x38;
	[tilespmem:$0x1C000] =	vst v63  }
0x44: {  	_ =	swait.ge [sflag:s3], $0x4000  }
0x45: {  	[sflag:s3] =	ssyncset.done $0x0  }
0x46: {  	s1 =	rddreg [dreg:$0xd];
	[sflag:s3] =	ssyncadd.s32 $0xFFFFC000  }
0x47: {  	[tilespmem:s6], [sflag:$0x2] =	stream.linear.gather [hbm4b:s1+s2], $0x4000, $0x38;
	[tilespmem:$0x1C000] =	vst v63  }
0x48: {  	_ =	swait.ge [sflag:s29], $0x4000  }
0x49: {  	[sflag:s29] =	ssyncset.done $0x0  }
0x4a: {  	s1 =	rddreg [dreg:$0xe];
	[sflag:s29] =	ssyncadd.s32 $0xFFFFC000  }
0x4b: {  	[hbm4b:s1+s2] =	stream.linear.scatter [tilespmem:s23], [sflag:$0xB], $0x4000, $0x38;
	[tilespmem:$0x1C000] =	vst v63  }
0x4c: {  	_ =	swait.ge [sflag:s12], $0x4000  }
0x4d: {  	[sflag:s12] =	ssyncset.done $0x0  }
0x4e: {  	s1 =	rddreg [dreg:$0xf];
	[sflag:s12] =	ssyncadd.s32 $0xFFFFC000  }
0x4f: {  	[tilespmem:s24], [sflag:$0x3] =	stream.linear.gather [hbm4b:s1+s2], $0x4000, $0x38;
	[tilespmem:$0x1C000] =	vst v63  }
0x50: {  	_ =	swait.ge [sflag:s26], $0x4000  }
0x51: {  	[sflag:s26] =	ssyncset.done $0x0  }
0x52: {  	s1 =	rddreg [dreg:$0x10];
	[sflag:s26] =	ssyncadd.s32 $0xFFFFC000  }
0x53: {  	[hbm4b:s1+s2] =	stream.linear.scatter [tilespmem:s22], [sflag:$0xC], $0x4000, $0x38;
	[tilespmem:$0x1C000] =	vst v63  }
0x54: {  	_ =	swait.ge [sflag:s17], $0x4000  }
0x55: {  	[sflag:s17] =	ssyncset.done $0x0  }
0x56: {  	s1 =	rddreg [dreg:$0x11];
	[sflag:s17] =	ssyncadd.s32 $0xFFFFC000  }
0x57: {  	[tilespmem:s23], [sflag:$0x4] =	stream.linear.gather [hbm4b:s1+s2], $0x4000, $0x38;
	[tilespmem:$0x1C000] =	vst v63  }
0x58: {  	_ =	swait.ge [sflag:s28], $0x4000  }
0x59: {  	[sflag:s28] =	ssyncset.done $0x0  }
0x5a: {  	s1 =	rddreg [dreg:$0x12];
	[sflag:s28] =	ssyncadd.s32 $0xFFFFC000  }
0x5b: {  	[hbm4b:s1+s2] =	stream.linear.scatter [tilespmem:s21], [sflag:$0xD], $0x4000, $0x38;
	[tilespmem:$0x1C000] =	vst v63  }
0x5c: {  	_ =	swait.ge [sflag:s16], $0x4000  }
0x5d: {  	[sflag:s16] =	ssyncset.done $0x0  }
0x5e: {  	s1 =	rddreg [dreg:$0x13];
	[sflag:s16] =	ssyncadd.s32 $0xFFFFC000  }
0x5f: {  	[tilespmem:s22], [sflag:$0x5] =	stream.linear.gather [hbm4b:s1+s2], $0x4000, $0x38;
	[tilespmem:$0x1C000] =	vst v63  }
0x60: {  	_ =	swait.ge [sflag:s25], $0x4000  }
0x61: {  	[sflag:s25] =	ssyncset.done $0x0  }
0x62: {  	s1 =	rddreg [dreg:$0x14];
	[sflag:s25] =	ssyncadd.s32 $0xFFFFC000  }
0x63: {  	[hbm4b:s1+s2] =	stream.linear.scatter [tilespmem:s19], [sflag:$0xE], $0x4000, $0x38;
	[tilespmem:$0x1C000] =	vst v63  }
0x64: {  	_ =	swait.ge [sflag:s13], $0x4000  }
0x65: {  	[sflag:s13] =	ssyncset.done $0x0  }
0x66: {  	s1 =	rddreg [dreg:$0x15];
	[sflag:s13] =	ssyncadd.s32 $0xFFFFC000  }
0x67: {  	[tilespmem:s21], [sflag:$0x6] =	stream.linear.gather [hbm4b:s1+s2], $0x4000, $0x38;
	[tilespmem:$0x1C000] =	vst v63  }
0x68: {  	_ =	swait.ge [sflag:s15], $0x4000  }
0x69: {  	[sflag:s15] =	ssyncset.done $0x0  }
0x6a: {  	s1 =	rddreg [dreg:$0x16];
	[sflag:s15] =	ssyncadd.s32 $0xFFFFC000  }
0x6b: {  	[hbm4b:s1+s2] =	stream.linear.scatter [tilespmem:s2], [sflag:$0x8], $0x4000, $0x38;
	[tilespmem:$0x1C000] =	vst v63  }
0x6c: {  	_ =	swait.ge [sflag:s10], $0x4000  }
0x6d: {  	[sflag:s10] =	ssyncset.done $0x0  }
0x6e: {  	s1 =	rddreg [dreg:$0x17];
	[sflag:s10] =	ssyncadd.s32 $0xFFFFC000  }
0x6f: {  	[tilespmem:s19], [sflag:$0x7] =	stream.linear.gather [hbm4b:s1+s2], $0x4000, $0x38;
	[tilespmem:$0x1C000] =	vst v63  }
0x70: {  	_ =	swait.ge [sflag:s11], $0x4000  }
0x71: {  	[sflag:s11] =	ssyncset.done $0x0  }
0x72: {  	s1 =	rddreg [dreg:$0x18];
	[sflag:s11] =	ssyncadd.s32 $0xFFFFC000  }
0x73: {  	[hbm4b:s1+s2] =	stream.linear.scatter [tilespmem:s6], [sflag:$0x9], $0x4000, $0x38;
	[tilespmem:$0x1C000] =	vst v63  }
0x74: {  	_ =	swait.ge [sflag:s4], $0x4000  }
0x75: {  	[sflag:s4] =	ssyncset.done $0x0  }
0x76: {  	s1 =	rddreg [dreg:$0x19];
	[sflag:s4] =	ssyncadd.s32 $0xFFFFC000  }
0x77: {  	[tilespmem:s2], [sflag:$0x1] =	stream.linear.gather [hbm4b:s1+s2], $0x4000, $0x38;
	[tilespmem:$0x1C000] =	vst v63  }
0x78: {  	_ =	swait.ge [sflag:s30], $0x4000  }
0x79: {  	[sflag:s30] =	ssyncset.done $0x0  }
0x7a: {  	s1 =	rddreg [dreg:$0x1a];
	[sflag:s30] =	ssyncadd.s32 $0xFFFFC000  }
0x7b: {  	[hbm4b:s1+s2] =	stream.linear.scatter [tilespmem:s24], [sflag:$0xA], $0x4000, $0x38;
	[tilespmem:$0x1C000] =	vst v63  }
0x7c: {  	_ =	swait.ge [sflag:s3], $0x4000  }
0x7d: {  	[sflag:s3] =	ssyncset.done $0x0  }
0x7e: {  	[sflag:s3] =	ssyncadd.s32 $0xFFFFC000  }
0x7f: {  	[tilespmem:s6], [sflag:$0x2] =	stream.linear.gather [hbm4b:s20+s2], $0x4000, $0x38;
	[tilespmem:$0x1C000] =	vst v63  }
0x80: {  	_ =	swait.ge [sflag:s29], $0x4000  }
0x81: {  	[sflag:s29] =	ssyncset.done $0x0  }
0x82: {  	[sflag:s29] =	ssyncadd.s32 $0xFFFFC000  }
0x83: {  	[hbm4b:s18+s2] =	stream.linear.scatter [tilespmem:s23], [sflag:$0xB], $0x4000, $0x38;
	[tilespmem:$0x1C000] =	vst v63  }
0x84: {  	_ =	swait.ge [sflag:s26], $0x4000  }
0x85: {  	[sflag:s26] =	ssyncset.done $0x0  }
0x86: {  	[sflag:s26] =	ssyncadd.s32 $0xFFFFC000  }
0x87: {  	[hbm4b:s14+s2] =	stream.linear.scatter [tilespmem:s22], [sflag:$0xC], $0x4000, $0x38;
	[tilespmem:$0x1C000] =	vst v63  }
0x88: {  	_ =	swait.ge [sflag:s28], $0x4000  }
0x89: {  	[sflag:s28] =	ssyncset.done $0x0  }
0x8a: {  	[sflag:s28] =	ssyncadd.s32 $0xFFFFC000  }
0x8b: {  	[hbm4b:s9+s2] =	stream.linear.scatter [tilespmem:s21], [sflag:$0xD], $0x4000, $0x38;
	[tilespmem:$0x1C000] =	vst v63  }
0x8c: {  	_ =	swait.ge [sflag:s25], $0x4000  }
0x8d: {  	[sflag:s25] =	ssyncset.done $0x0  }
0x8e: {  	[sflag:s25] =	ssyncadd.s32 $0xFFFFC000  }
0x8f: {  	[hbm4b:s8+s2] =	stream.linear.scatter [tilespmem:s19], [sflag:$0xE], $0x4000, $0x38;
	[tilespmem:$0x1C000] =	vst v63  }
0x90: {  	_ =	swait.ge [sflag:s15], $0x4000  }
0x91: {  	[sflag:s15] =	ssyncset.done $0x0  }
0x92: {  	[sflag:s15] =	ssyncadd.s32 $0xFFFFC000  }
0x93: {  	[hbm4b:s7+s2] =	stream.linear.scatter [tilespmem:s2], [sflag:$0x8], $0x4000, $0x38;
	[tilespmem:$0x1C000] =	vst v63  }
0x94: {  	_ =	swait.ge [sflag:s11], $0x4000  }
0x95: {  	[sflag:s11] =	ssyncset.done $0x0  }
0x96: {  	[sflag:s11] =	ssyncadd.s32 $0xFFFFC000  }
0x97: {  	[hbm4b:s5+s2] =	stream.linear.scatter [tilespmem:s6], [sflag:$0x9], $0x4000, $0x38;
	[tilespmem:$0x1C000] =	vst v63  }
0x98: {  	_ =	swait.ge [sflag:s12], $0x4000  }
0x99: {  	[sflag:s12] =	ssyncset.done $0x0  }
0x9a: {  	[sflag:s12] =	ssyncadd.s32 $0xFFFFC000  }
0x9b: {  	_ =	swait.ge [sflag:s17], $0x4000  }
0x9c: {  	[sflag:s17] =	ssyncset.done $0x0  }
0x9d: {  	[sflag:s17] =	ssyncadd.s32 $0xFFFFC000  }
0x9e: {  	_ =	swait.ge [sflag:s16], $0x4000  }
0x9f: {  	[sflag:s16] =	ssyncset.done $0x0  }
0xa0: {  	[sflag:s16] =	ssyncadd.s32 $0xFFFFC000  }
0xa1: {  	_ =	swait.ge [sflag:s13], $0x4000  }
0xa2: {  	[sflag:s13] =	ssyncset.done $0x0  }
0xa3: {  	[sflag:s13] =	ssyncadd.s32 $0xFFFFC000  }
0xa4: {  	_ =	swait.ge [sflag:s10], $0x4000  }
0xa5: {  	[sflag:s10] =	ssyncset.done $0x0  }
0xa6: {  	[sflag:s10] =	ssyncadd.s32 $0xFFFFC000  }
0xa7: {  	_ =	swait.ge [sflag:s4], $0x4000  }
0xa8: {  	s1 =	rddreg [dreg:$0x1b]  }
0xa9: {  	p1 =	sne.s32 s1, $0x1  }
.Ltmp1:
0xaa: {  	_ = 	snop;
	(pc) =	sbr.rel @!p1 .LBB2_3-.Ltmp1, $4  }
0xab: {  	[sflag:s4] =	ssyncset.done $0x0  }
0xac: {  	[sflag:s4] =	ssyncadd.s32 $0xFFFFC000  }
0xad: {  	p0 =	por $0x1, $0x1;
	_ =	swait.ge [sflag:s3], $0x4000  }
0xae: {  	s1 =	sadd.s32 $0xFFFFFFFF, s1;
	s0 =	rddreg [dreg:$0x3];
	[sflag:s3] =	ssyncset.done $0x0  }
.LBB2_2:
0xaf: {  	[sflag:s3] =	ssyncadd.s32 $0xFFFFC000  }
0xb0: {  	s19 =	smov.u32 s31;
	s31 =	smov.u32 s20;
	s20 =	smov.u32 s18  }
0xb1: {  	s18 =	smov.u32 s14;
	s14 =	smov.u32 s9;
	s9 =	smov.u32 s8  }
0xb2: {  	[tilespmem:s2], [sflag:$0x1] =	stream.linear.gather [hbm4b:s0+s2], $0x4000, $0x38;
	[tilespmem:$0x1C000] =	vst v63  }
0xb3: {  	s8 =	smov.u32 s7;
	s7 =	smov.u32 s5;
	s5 =	rddreg [dreg:$0x4]  }
0xb4: {  	[tilespmem:s6], [sflag:$0x2] =	stream.linear.gather [hbm4b:s5+s2], $0x4000, $0x38;
	[tilespmem:$0x1C000] =	vst v63  }
0xb5: {  	s0 =	rddreg [dreg:$0x5]  }
0xb6: {  	[tilespmem:s24], [sflag:$0x3] =	stream.linear.gather [hbm4b:s0+s2], $0x4000, $0x38;
	[tilespmem:$0x1C000] =	vst v63  }
0xb7: {  	s5 =	rddreg [dreg:$0x6]  }
0xb8: {  	[tilespmem:s23], [sflag:$0x4] =	stream.linear.gather [hbm4b:s5+s2], $0x4000, $0x38;
	[tilespmem:$0x1C000] =	vst v63  }
0xb9: {  	s0 =	rddreg [dreg:$0x7]  }
0xba: {  	[tilespmem:s22], [sflag:$0x5] =	stream.linear.gather [hbm4b:s0+s2], $0x4000, $0x38;
	[tilespmem:$0x1C000] =	vst v63  }
0xbb: {  	s5 =	rddreg [dreg:$0x8]  }
0xbc: {  	[tilespmem:s21], [sflag:$0x6] =	stream.linear.gather [hbm4b:s5+s2], $0x4000, $0x38;
	[tilespmem:$0x1C000] =	vst v63  }
0xbd: {  	s5 =	smov.u32 s7;
	s7 =	smov.u32 s8  }
0xbe: {  	s8 =	smov.u32 s9;
	s9 =	smov.u32 s14;
	_ =	swait.ge [sflag:s15], $0x4000  }
0xbf: {  	s14 =	smov.u32 s18;
	s18 =	smov.u32 s20;
	[sflag:s15] =	ssyncset.done $0x0  }
0xc0: {  	s20 =	smov.u32 s31;
	s31 =	smov.u32 s19;
	[sflag:s15] =	ssyncadd.s32 $0xFFFFC000  }
0xc1: {  	[hbm4b:s31+s2] =	stream.linear.scatter [tilespmem:s2], [sflag:$0x8], $0x4000, $0x38;
	[tilespmem:$0x1C000] =	vst v63  }
0xc2: {  	s19 =	simm.s32 $0x18000;
	s0 =	rddreg [dreg:$0x9]  }
0xc3: {  	[tilespmem:s19], [sflag:$0x7] =	stream.linear.gather [hbm4b:s0+s2], $0x4000, $0x38;
	[tilespmem:$0x1C000] =	vst v63  }
0xc4: {  	_ =	swait.ge [sflag:s11], $0x4000  }
0xc5: {  	[sflag:s11] =	ssyncset.done $0x0  }
0xc6: {  	s0 =	rddreg [dreg:$0xa];
	[sflag:s11] =	ssyncadd.s32 $0xFFFFC000  }
0xc7: {  	[hbm4b:s0+s2] =	stream.linear.scatter [tilespmem:s6], [sflag:$0x9], $0x4000, $0x38;
	[tilespmem:$0x1C000] =	vst v63  }
0xc8: {  	_ =	swait.ge [sflag:s4], $0x4000  }
0xc9: {  	[sflag:s4] =	ssyncset.done $0x0  }
0xca: {  	s0 =	rddreg [dreg:$0xb];
	[sflag:s4] =	ssyncadd.s32 $0xFFFFC000  }
0xcb: {  	[tilespmem:s2], [sflag:$0x1] =	stream.linear.gather [hbm4b:s0+s2], $0x4000, $0x38;
	[tilespmem:$0x1C000] =	vst v63  }
0xcc: {  	_ =	swait.ge [sflag:s30], $0x4000  }
0xcd: {  	[sflag:s30] =	ssyncset.done $0x0  }
0xce: {  	s0 =	rddreg [dreg:$0xc];
	[sflag:s30] =	ssyncadd.s32 $0xFFFFC000  }
0xcf: {  	[hbm4b:s0+s2] =	stream.linear.scatter [tilespmem:s24], [sflag:$0xA], $0x4000, $0x38;
	[tilespmem:$0x1C000] =	vst v63  }
0xd0: {  	_ =	swait.ge [sflag:s3], $0x4000  }
0xd1: {  	[sflag:s3] =	ssyncset.done $0x0  }
0xd2: {  	s0 =	rddreg [dreg:$0xd];
	[sflag:s3] =	ssyncadd.s32 $0xFFFFC000  }
0xd3: {  	[tilespmem:s6], [sflag:$0x2] =	stream.linear.gather [hbm4b:s0+s2], $0x4000, $0x38;
	[tilespmem:$0x1C000] =	vst v63  }
0xd4: {  	_ =	swait.ge [sflag:s29], $0x4000  }
0xd5: {  	[sflag:s29] =	ssyncset.done $0x0  }
0xd6: {  	s0 =	rddreg [dreg:$0xe];
	[sflag:s29] =	ssyncadd.s32 $0xFFFFC000  }
0xd7: {  	[hbm4b:s0+s2] =	stream.linear.scatter [tilespmem:s23], [sflag:$0xB], $0x4000, $0x38;
	[tilespmem:$0x1C000] =	vst v63  }
0xd8: {  	_ =	swait.ge [sflag:s12], $0x4000  }
0xd9: {  	[sflag:s12] =	ssyncset.done $0x0  }
0xda: {  	s0 =	rddreg [dreg:$0xf];
	[sflag:s12] =	ssyncadd.s32 $0xFFFFC000  }
0xdb: {  	[tilespmem:s24], [sflag:$0x3] =	stream.linear.gather [hbm4b:s0+s2], $0x4000, $0x38;
	[tilespmem:$0x1C000] =	vst v63  }
0xdc: {  	_ =	swait.ge [sflag:s26], $0x4000  }
0xdd: {  	[sflag:s26] =	ssyncset.done $0x0  }
0xde: {  	s0 =	rddreg [dreg:$0x10];
	[sflag:s26] =	ssyncadd.s32 $0xFFFFC000  }
0xdf: {  	[hbm4b:s0+s2] =	stream.linear.scatter [tilespmem:s22], [sflag:$0xC], $0x4000, $0x38;
	[tilespmem:$0x1C000] =	vst v63  }
0xe0: {  	_ =	swait.ge [sflag:s17], $0x4000  }
0xe1: {  	[sflag:s17] =	ssyncset.done $0x0  }
0xe2: {  	s0 =	rddreg [dreg:$0x11];
	[sflag:s17] =	ssyncadd.s32 $0xFFFFC000  }
0xe3: {  	[tilespmem:s23], [sflag:$0x4] =	stream.linear.gather [hbm4b:s0+s2], $0x4000, $0x38;
	[tilespmem:$0x1C000] =	vst v63  }
0xe4: {  	_ =	swait.ge [sflag:s28], $0x4000  }
0xe5: {  	[sflag:s28] =	ssyncset.done $0x0  }
0xe6: {  	s0 =	rddreg [dreg:$0x12];
	[sflag:s28] =	ssyncadd.s32 $0xFFFFC000  }
0xe7: {  	[hbm4b:s0+s2] =	stream.linear.scatter [tilespmem:s21], [sflag:$0xD], $0x4000, $0x38;
	[tilespmem:$0x1C000] =	vst v63  }
0xe8: {  	_ =	swait.ge [sflag:s16], $0x4000  }
0xe9: {  	[sflag:s16] =	ssyncset.done $0x0  }
0xea: {  	s0 =	rddreg [dreg:$0x13];
	[sflag:s16] =	ssyncadd.s32 $0xFFFFC000  }
0xeb: {  	[tilespmem:s22], [sflag:$0x5] =	stream.linear.gather [hbm4b:s0+s2], $0x4000, $0x38;
	[tilespmem:$0x1C000] =	vst v63  }
0xec: {  	_ =	swait.ge [sflag:s25], $0x4000  }
0xed: {  	[sflag:s25] =	ssyncset.done $0x0  }
0xee: {  	s0 =	rddreg [dreg:$0x14];
	[sflag:s25] =	ssyncadd.s32 $0xFFFFC000  }
0xef: {  	[hbm4b:s0+s2] =	stream.linear.scatter [tilespmem:s19], [sflag:$0xE], $0x4000, $0x38;
	[tilespmem:$0x1C000] =	vst v63  }
0xf0: {  	_ =	swait.ge [sflag:s13], $0x4000  }
0xf1: {  	[sflag:s13] =	ssyncset.done $0x0  }
0xf2: {  	s0 =	rddreg [dreg:$0x15];
	[sflag:s13] =	ssyncadd.s32 $0xFFFFC000  }
0xf3: {  	[tilespmem:s21], [sflag:$0x6] =	stream.linear.gather [hbm4b:s0+s2], $0x4000, $0x38;
	[tilespmem:$0x1C000] =	vst v63  }
0xf4: {  	_ =	swait.ge [sflag:s15], $0x4000  }
0xf5: {  	[sflag:s15] =	ssyncset.done $0x0  }
0xf6: {  	s0 =	rddreg [dreg:$0x16];
	[sflag:s15] =	ssyncadd.s32 $0xFFFFC000  }
0xf7: {  	[hbm4b:s0+s2] =	stream.linear.scatter [tilespmem:s2], [sflag:$0x8], $0x4000, $0x38;
	[tilespmem:$0x1C000] =	vst v63  }
0xf8: {  	_ =	swait.ge [sflag:s10], $0x4000  }
0xf9: {  	[sflag:s10] =	ssyncset.done $0x0  }
0xfa: {  	s0 =	rddreg [dreg:$0x17];
	[sflag:s10] =	ssyncadd.s32 $0xFFFFC000  }
0xfb: {  	[tilespmem:s19], [sflag:$0x7] =	stream.linear.gather [hbm4b:s0+s2], $0x4000, $0x38;
	[tilespmem:$0x1C000] =	vst v63  }
0xfc: {  	_ =	swait.ge [sflag:s11], $0x4000  }
0xfd: {  	[sflag:s11] =	ssyncset.done $0x0  }
0xfe: {  	s0 =	rddreg [dreg:$0x18];
	[sflag:s11] =	ssyncadd.s32 $0xFFFFC000  }
0xff: {  	[hbm4b:s0+s2] =	stream.linear.scatter [tilespmem:s6], [sflag:$0x9], $0x4000, $0x38;
	[tilespmem:$0x1C000] =	vst v63  }
0x100: {  	_ =	swait.ge [sflag:s4], $0x4000  }
0x101: {  	[sflag:s4] =	ssyncset.done $0x0  }
0x102: {  	s0 =	rddreg [dreg:$0x19];
	[sflag:s4] =	ssyncadd.s32 $0xFFFFC000  }
0x103: {  	[tilespmem:s2], [sflag:$0x1] =	stream.linear.gather [hbm4b:s0+s2], $0x4000, $0x38;
	[tilespmem:$0x1C000] =	vst v63  }
0x104: {  	_ =	swait.ge [sflag:s30], $0x4000  }
0x105: {  	[sflag:s30] =	ssyncset.done $0x0  }
0x106: {  	s0 =	rddreg [dreg:$0x1a];
	[sflag:s30] =	ssyncadd.s32 $0xFFFFC000  }
0x107: {  	[hbm4b:s0+s2] =	stream.linear.scatter [tilespmem:s24], [sflag:$0xA], $0x4000, $0x38;
	[tilespmem:$0x1C000] =	vst v63  }
0x108: {  	_ =	swait.ge [sflag:s3], $0x4000  }
0x109: {  	[sflag:s3] =	ssyncset.done $0x0  }
0x10a: {  	[sflag:s3] =	ssyncadd.s32 $0xFFFFC000  }
0x10b: {  	[tilespmem:s6], [sflag:$0x2] =	stream.linear.gather [hbm4b:s20+s2], $0x4000, $0x38;
	[tilespmem:$0x1C000] =	vst v63  }
0x10c: {  	_ =	swait.ge [sflag:s29], $0x4000  }
0x10d: {  	[sflag:s29] =	ssyncset.done $0x0  }
0x10e: {  	[sflag:s29] =	ssyncadd.s32 $0xFFFFC000  }
0x10f: {  	[hbm4b:s18+s2] =	stream.linear.scatter [tilespmem:s23], [sflag:$0xB], $0x4000, $0x38;
	[tilespmem:$0x1C000] =	vst v63  }
0x110: {  	_ =	swait.ge [sflag:s26], $0x4000  }
0x111: {  	[sflag:s26] =	ssyncset.done $0x0  }
0x112: {  	[sflag:s26] =	ssyncadd.s32 $0xFFFFC000  }
0x113: {  	[hbm4b:s14+s2] =	stream.linear.scatter [tilespmem:s22], [sflag:$0xC], $0x4000, $0x38;
	[tilespmem:$0x1C000] =	vst v63  }
0x114: {  	_ =	swait.ge [sflag:s28], $0x4000  }
0x115: {  	[sflag:s28] =	ssyncset.done $0x0  }
0x116: {  	[sflag:s28] =	ssyncadd.s32 $0xFFFFC000  }
0x117: {  	[hbm4b:s9+s2] =	stream.linear.scatter [tilespmem:s21], [sflag:$0xD], $0x4000, $0x38;
	[tilespmem:$0x1C000] =	vst v63  }
0x118: {  	_ =	swait.ge [sflag:s25], $0x4000  }
0x119: {  	[sflag:s25] =	ssyncset.done $0x0  }
0x11a: {  	[sflag:s25] =	ssyncadd.s32 $0xFFFFC000  }
0x11b: {  	[hbm4b:s8+s2] =	stream.linear.scatter [tilespmem:s19], [sflag:$0xE], $0x4000, $0x38;
	[tilespmem:$0x1C000] =	vst v63  }
0x11c: {  	_ =	swait.ge [sflag:s15], $0x4000  }
0x11d: {  	[sflag:s15] =	ssyncset.done $0x0  }
0x11e: {  	[sflag:s15] =	ssyncadd.s32 $0xFFFFC000  }
0x11f: {  	[hbm4b:s7+s2] =	stream.linear.scatter [tilespmem:s2], [sflag:$0x8], $0x4000, $0x38;
	[tilespmem:$0x1C000] =	vst v63  }
0x120: {  	_ =	swait.ge [sflag:s11], $0x4000  }
0x121: {  	[sflag:s11] =	ssyncset.done $0x0  }
0x122: {  	[sflag:s11] =	ssyncadd.s32 $0xFFFFC000  }
0x123: {  	[hbm4b:s5+s2] =	stream.linear.scatter [tilespmem:s6], [sflag:$0x9], $0x4000, $0x38;
	[tilespmem:$0x1C000] =	vst v63  }
0x124: {  	_ =	swait.ge [sflag:s12], $0x4000  }
0x125: {  	[sflag:s12] =	ssyncset.done $0x0  }
0x126: {  	[sflag:s12] =	ssyncadd.s32 $0xFFFFC000  }
0x127: {  	_ =	swait.ge [sflag:s17], $0x4000  }
0x128: {  	[sflag:s17] =	ssyncset.done $0x0  }
0x129: {  	[sflag:s17] =	ssyncadd.s32 $0xFFFFC000  }
0x12a: {  	_ =	swait.ge [sflag:s16], $0x4000  }
0x12b: {  	[sflag:s16] =	ssyncset.done $0x0  }
0x12c: {  	[sflag:s16] =	ssyncadd.s32 $0xFFFFC000  }
0x12d: {  	_ =	swait.ge [sflag:s13], $0x4000  }
0x12e: {  	[sflag:s13] =	ssyncset.done $0x0  }
0x12f: {  	[sflag:s13] =	ssyncadd.s32 $0xFFFFC000  }
0x130: {  	_ =	swait.ge [sflag:s10], $0x4000  }
0x131: {  	[sflag:s10] =	ssyncset.done $0x0  }
0x132: {  	p1 =	sne.s32 s1, $0x1;
	[sflag:s10] =	ssyncadd.s32 $0xFFFFC000  }
.Ltmp2:
0x133: {  	_ =	swait.ge [sflag:s4], $0x4000;
	(pc) =	sbr.rel @p1 .LBB2_2-.Ltmp2, $4  }
0x134: {  	[sflag:s4] =	ssyncset.done $0x0  }
0x135: {  	[sflag:s4] =	ssyncadd.s32 $0xFFFFC000  }
0x136: {  	_ =	swait.ge [sflag:s3], $0x4000  }
0x137: {  	s1 =	sadd.s32 $0xFFFFFFFF, s1;
	s0 =	rddreg [dreg:$0x3];
	[sflag:s3] =	ssyncset.done $0x0  }
.LBB2_3:
0x138: {  	[sflag:s3] =	ssyncadd.s32 @p0 $0xFFFFC000  }
0x139: {  	[tilespmem:s2], [sflag:$0x1] =	stream.linear.gather [hbm4b:s0+s2], $0x4000, $0x38;
	[tilespmem:$0x1C000] =	vst v63  }
0x13a: {  	s1 =	rddreg [dreg:$0x4]  }
0x13b: {  	[tilespmem:s6], [sflag:$0x2] =	stream.linear.gather [hbm4b:s1+s2], $0x4000, $0x38;
	[tilespmem:$0x1C000] =	vst v63  }
0x13c: {  	s0 =	rddreg [dreg:$0x5]  }
0x13d: {  	[tilespmem:s24], [sflag:$0x3] =	stream.linear.gather [hbm4b:s0+s2], $0x4000, $0x38;
	[tilespmem:$0x1C000] =	vst v63  }
0x13e: {  	s1 =	rddreg [dreg:$0x6]  }
0x13f: {  	[tilespmem:s23], [sflag:$0x4] =	stream.linear.gather [hbm4b:s1+s2], $0x4000, $0x38;
	[tilespmem:$0x1C000] =	vst v63  }
0x140: {  	s0 =	rddreg [dreg:$0x7]  }
0x141: {  	[tilespmem:s22], [sflag:$0x5] =	stream.linear.gather [hbm4b:s0+s2], $0x4000, $0x38;
	[tilespmem:$0x1C000] =	vst v63  }
0x142: {  	s1 =	rddreg [dreg:$0x8]  }
0x143: {  	[tilespmem:s21], [sflag:$0x6] =	stream.linear.gather [hbm4b:s1+s2], $0x4000, $0x38;
	[tilespmem:$0x1C000] =	vst v63  }
0x144: {  	_ =	swait.ge [sflag:s15], $0x4000  }
0x145: {  	[sflag:s15] =	ssyncset.done $0x0  }
0x146: {  	[sflag:s15] =	ssyncadd.s32 $0xFFFFC000  }
0x147: {  	[hbm4b:s31+s2] =	stream.linear.scatter [tilespmem:s2], [sflag:$0x8], $0x4000, $0x38;
	[tilespmem:$0x1C000] =	vst v63  }
0x148: {  	s1 =	rddreg [dreg:$0x9]  }
0x149: {  	[tilespmem:s19], [sflag:$0x7] =	stream.linear.gather [hbm4b:s1+s2], $0x4000, $0x38;
	[tilespmem:$0x1C000] =	vst v63  }
0x14a: {  	_ =	swait.ge [sflag:s11], $0x4000  }
0x14b: {  	[sflag:s11] =	ssyncset.done $0x0  }
0x14c: {  	s1 =	rddreg [dreg:$0xa];
	[sflag:s11] =	ssyncadd.s32 $0xFFFFC000  }
0x14d: {  	[hbm4b:s1+s2] =	stream.linear.scatter [tilespmem:s6], [sflag:$0x9], $0x4000, $0x38;
	[tilespmem:$0x1C000] =	vst v63  }
0x14e: {  	_ =	swait.ge [sflag:s4], $0x4000  }
0x14f: {  	[sflag:s4] =	ssyncset.done $0x0  }
0x150: {  	s31 =	rddreg [dreg:$0xb];
	[sflag:s4] =	ssyncadd.s32 $0xFFFFC000  }
0x151: {  	[tilespmem:s2], [sflag:$0x1] =	stream.linear.gather [hbm4b:s31+s2], $0x4000, $0x38;
	[tilespmem:$0x1C000] =	vst v63  }
0x152: {  	_ =	swait.ge [sflag:s30], $0x4000  }
0x153: {  	[sflag:s30] =	ssyncset.done $0x0  }
0x154: {  	s1 =	rddreg [dreg:$0xc];
	[sflag:s30] =	ssyncadd.s32 $0xFFFFC000  }
0x155: {  	[hbm4b:s1+s2] =	stream.linear.scatter [tilespmem:s24], [sflag:$0xA], $0x4000, $0x38;
	[tilespmem:$0x1C000] =	vst v63  }
0x156: {  	_ =	swait.ge [sflag:s3], $0x4000  }
0x157: {  	[sflag:s3] =	ssyncset.done $0x0  }
0x158: {  	s31 =	rddreg [dreg:$0xd];
	[sflag:s3] =	ssyncadd.s32 $0xFFFFC000  }
0x159: {  	[tilespmem:s6], [sflag:$0x2] =	stream.linear.gather [hbm4b:s31+s2], $0x4000, $0x38;
	[tilespmem:$0x1C000] =	vst v63  }
0x15a: {  	_ =	swait.ge [sflag:s29], $0x4000  }
0x15b: {  	[sflag:s29] =	ssyncset.done $0x0  }
0x15c: {  	s1 =	rddreg [dreg:$0xe];
	[sflag:s29] =	ssyncadd.s32 $0xFFFFC000  }
0x15d: {  	[hbm4b:s1+s2] =	stream.linear.scatter [tilespmem:s23], [sflag:$0xB], $0x4000, $0x38;
	[tilespmem:$0x1C000] =	vst v63  }
0x15e: {  	_ =	swait.ge [sflag:s12], $0x4000  }
0x15f: {  	[sflag:s12] =	ssyncset.done $0x0  }
0x160: {  	s31 =	rddreg [dreg:$0xf];
	[sflag:s12] =	ssyncadd.s32 $0xFFFFC000  }
0x161: {  	[tilespmem:s24], [sflag:$0x3] =	stream.linear.gather [hbm4b:s31+s2], $0x4000, $0x38;
	[tilespmem:$0x1C000] =	vst v63  }
0x162: {  	_ =	swait.ge [sflag:s26], $0x4000  }
0x163: {  	[sflag:s26] =	ssyncset.done $0x0  }
0x164: {  	s1 =	rddreg [dreg:$0x10];
	[sflag:s26] =	ssyncadd.s32 $0xFFFFC000  }
0x165: {  	[hbm4b:s1+s2] =	stream.linear.scatter [tilespmem:s22], [sflag:$0xC], $0x4000, $0x38;
	[tilespmem:$0x1C000] =	vst v63  }
0x166: {  	_ =	swait.ge [sflag:s17], $0x4000  }
0x167: {  	[sflag:s17] =	ssyncset.done $0x0  }
0x168: {  	s31 =	rddreg [dreg:$0x11];
	[sflag:s17] =	ssyncadd.s32 $0xFFFFC000  }
0x169: {  	[tilespmem:s23], [sflag:$0x4] =	stream.linear.gather [hbm4b:s31+s2], $0x4000, $0x38;
	[tilespmem:$0x1C000] =	vst v63  }
0x16a: {  	_ =	swait.ge [sflag:s28], $0x4000  }
0x16b: {  	[sflag:s28] =	ssyncset.done $0x0  }
0x16c: {  	s1 =	rddreg [dreg:$0x12];
	[sflag:s28] =	ssyncadd.s32 $0xFFFFC000  }
0x16d: {  	[hbm4b:s1+s2] =	stream.linear.scatter [tilespmem:s21], [sflag:$0xD], $0x4000, $0x38;
	[tilespmem:$0x1C000] =	vst v63  }
0x16e: {  	_ =	swait.ge [sflag:s16], $0x4000  }
0x16f: {  	[sflag:s16] =	ssyncset.done $0x0  }
0x170: {  	s31 =	rddreg [dreg:$0x13];
	[sflag:s16] =	ssyncadd.s32 $0xFFFFC000  }
0x171: {  	[tilespmem:s22], [sflag:$0x5] =	stream.linear.gather [hbm4b:s31+s2], $0x4000, $0x38;
	[tilespmem:$0x1C000] =	vst v63  }
0x172: {  	_ =	swait.ge [sflag:s25], $0x4000  }
0x173: {  	[sflag:s25] =	ssyncset.done $0x0  }
0x174: {  	s1 =	rddreg [dreg:$0x14];
	[sflag:s25] =	ssyncadd.s32 $0xFFFFC000  }
0x175: {  	[hbm4b:s1+s2] =	stream.linear.scatter [tilespmem:s19], [sflag:$0xE], $0x4000, $0x38;
	[tilespmem:$0x1C000] =	vst v63  }
0x176: {  	_ =	swait.ge [sflag:s13], $0x4000  }
0x177: {  	[sflag:s13] =	ssyncset.done $0x0  }
0x178: {  	s31 =	rddreg [dreg:$0x15];
	[sflag:s13] =	ssyncadd.s32 $0xFFFFC000  }
0x179: {  	[tilespmem:s21], [sflag:$0x6] =	stream.linear.gather [hbm4b:s31+s2], $0x4000, $0x38;
	[tilespmem:$0x1C000] =	vst v63  }
0x17a: {  	_ =	swait.ge [sflag:s15], $0x4000  }
0x17b: {  	[sflag:s15] =	ssyncset.done $0x0  }
0x17c: {  	s1 =	rddreg [dreg:$0x16];
	[sflag:s15] =	ssyncadd.s32 $0xFFFFC000  }
0x17d: {  	[hbm4b:s1+s2] =	stream.linear.scatter [tilespmem:s2], [sflag:$0x8], $0x4000, $0x38;
	[tilespmem:$0x1C000] =	vst v63  }
0x17e: {  	_ =	swait.ge [sflag:s10], $0x4000  }
0x17f: {  	[sflag:s10] =	ssyncset.done $0x0  }
0x180: {  	s31 =	rddreg [dreg:$0x17];
	[sflag:s10] =	ssyncadd.s32 $0xFFFFC000  }
0x181: {  	[tilespmem:s19], [sflag:$0x7] =	stream.linear.gather [hbm4b:s31+s2], $0x4000, $0x38;
	[tilespmem:$0x1C000] =	vst v63  }
0x182: {  	_ =	swait.ge [sflag:s11], $0x4000  }
0x183: {  	[sflag:s11] =	ssyncset.done $0x0  }
0x184: {  	s1 =	rddreg [dreg:$0x18];
	[sflag:s11] =	ssyncadd.s32 $0xFFFFC000  }
0x185: {  	[hbm4b:s1+s2] =	stream.linear.scatter [tilespmem:s6], [sflag:$0x9], $0x4000, $0x38;
	[tilespmem:$0x1C000] =	vst v63  }
0x186: {  	_ =	swait.ge [sflag:s4], $0x4000  }
0x187: {  	[sflag:s4] =	ssyncset.done $0x0  }
0x188: {  	s31 =	rddreg [dreg:$0x19];
	[sflag:s4] =	ssyncadd.s32 $0xFFFFC000  }
0x189: {  	[tilespmem:s2], [sflag:$0x1] =	stream.linear.gather [hbm4b:s31+s2], $0x4000, $0x38;
	[tilespmem:$0x1C000] =	vst v63  }
0x18a: {  	_ =	swait.ge [sflag:s30], $0x4000  }
0x18b: {  	[sflag:s30] =	ssyncset.done $0x0  }
0x18c: {  	s1 =	rddreg [dreg:$0x1a];
	[sflag:s30] =	ssyncadd.s32 $0xFFFFC000  }
0x18d: {  	[hbm4b:s1+s2] =	stream.linear.scatter [tilespmem:s24], [sflag:$0xA], $0x4000, $0x38;
	[tilespmem:$0x1C000] =	vst v63  }
0x18e: {  	_ =	swait.ge [sflag:s3], $0x4000  }
0x18f: {  	[sflag:s3] =	ssyncset.done $0x0  }
0x190: {  	[sflag:s3] =	ssyncadd.s32 $0xFFFFC000  }
0x191: {  	[tilespmem:s6], [sflag:$0x2] =	stream.linear.gather [hbm4b:s20+s2], $0x4000, $0x38;
	[tilespmem:$0x1C000] =	vst v63  }
0x192: {  	_ =	swait.ge [sflag:s29], $0x4000  }
0x193: {  	[sflag:s29] =	ssyncset.done $0x0  }
0x194: {  	[sflag:s29] =	ssyncadd.s32 $0xFFFFC000  }
0x195: {  	[hbm4b:s18+s2] =	stream.linear.scatter [tilespmem:s23], [sflag:$0xB], $0x4000, $0x38;
	[tilespmem:$0x1C000] =	vst v63  }
0x196: {  	_ =	swait.ge [sflag:s26], $0x4000  }
0x197: {  	[sflag:s26] =	ssyncset.done $0x0  }
0x198: {  	[sflag:s26] =	ssyncadd.s32 $0xFFFFC000  }
0x199: {  	[hbm4b:s14+s2] =	stream.linear.scatter [tilespmem:s22], [sflag:$0xC], $0x4000, $0x38;
	[tilespmem:$0x1C000] =	vst v63  }
0x19a: {  	_ =	swait.ge [sflag:s28], $0x4000  }
0x19b: {  	[sflag:s28] =	ssyncset.done $0x0  }
0x19c: {  	[sflag:s28] =	ssyncadd.s32 $0xFFFFC000  }
0x19d: {  	[hbm4b:s9+s2] =	stream.linear.scatter [tilespmem:s21], [sflag:$0xD], $0x4000, $0x38;
	[tilespmem:$0x1C000] =	vst v63  }
0x19e: {  	_ =	swait.ge [sflag:s25], $0x4000  }
0x19f: {  	[sflag:s25] =	ssyncset.done $0x0  }
0x1a0: {  	[sflag:s25] =	ssyncadd.s32 $0xFFFFC000  }
0x1a1: {  	[hbm4b:s8+s2] =	stream.linear.scatter [tilespmem:s19], [sflag:$0xE], $0x4000, $0x38;
	[tilespmem:$0x1C000] =	vst v63  }
0x1a2: {  	_ =	swait.ge [sflag:s15], $0x4000  }
0x1a3: {  	[sflag:s15] =	ssyncset.done $0x0  }
0x1a4: {  	[sflag:s15] =	ssyncadd.s32 $0xFFFFC000  }
0x1a5: {  	[hbm4b:s7+s2] =	stream.linear.scatter [tilespmem:s2], [sflag:$0x8], $0x4000, $0x38;
	[tilespmem:$0x1C000] =	vst v63  }
0x1a6: {  	_ =	swait.ge [sflag:s11], $0x4000  }
0x1a7: {  	[sflag:s11] =	ssyncset.done $0x0  }
0x1a8: {  	[sflag:s11] =	ssyncadd.s32 $0xFFFFC000  }
0x1a9: {  	[hbm4b:s5+s2] =	stream.linear.scatter [tilespmem:s6], [sflag:$0x9], $0x4000, $0x38;
	[tilespmem:$0x1C000] =	vst v63  }
0x1aa: {  	_ =	swait.ge [sflag:s12], $0x4000  }
0x1ab: {  	[sflag:s12] =	ssyncset.done $0x0  }
0x1ac: {  	[sflag:s12] =	ssyncadd.s32 $0xFFFFC000  }
0x1ad: {  	_ =	swait.ge [sflag:s17], $0x4000  }
0x1ae: {  	[sflag:s17] =	ssyncset.done $0x0  }
0x1af: {  	[sflag:s17] =	ssyncadd.s32 $0xFFFFC000  }
0x1b0: {  	_ =	swait.ge [sflag:s16], $0x4000  }
0x1b1: {  	[sflag:s16] =	ssyncset.done $0x0  }
0x1b2: {  	[sflag:s16] =	ssyncadd.s32 $0xFFFFC000  }
0x1b3: {  	_ =	swait.ge [sflag:s13], $0x4000  }
0x1b4: {  	[sflag:s13] =	ssyncset.done $0x0  }
0x1b5: {  	[sflag:s13] =	ssyncadd.s32 $0xFFFFC000  }
0x1b6: {  	_ =	swait.ge [sflag:s10], $0x4000  }
0x1b7: {  	[sflag:s10] =	ssyncset.done $0x0  }
0x1b8: {  	[sflag:s10] =	ssyncadd.s32 $0xFFFFC000  }
0x1b9: {  	_ =	swait.ge [sflag:s4], $0x4000  }
0x1ba: {  	[sflag:s4] =	ssyncset.done $0x0  }
0x1bb: {  	[sflag:s4] =	ssyncadd.s32 $0xFFFFC000  }
0x1bc: {  	_ =	swait.ge [sflag:s3], $0x4000  }
0x1bd: {  	[sflag:s3] =	ssyncset.done $0x0  }
0x1be: {  	[sflag:s3] =	ssyncadd.s32 $0xFFFFC000  }
0x1bf: {  	_ =	sfence.sel $0x180000  }
0x1c0: {  	[bflag:$0x0] =	sbarrier.arrive $0xFFFF  }
0x1c1: {  	_ =	strace $0x90000047  }
0x1c2: {  	s31 =	stileid.u32;
	[bflag:$0x2] =	sbarrier.arrive $0xFFFF  }
0x1c3: {  	p0 =	sne.s32 s31, $0x0;
	s0 =	rddreg [dreg:$0x2]  }
0x1c4: {  	s0 =	sadd.s32 @!p0 $0x100000, s0  }
0x1c5: {  	[sflag:s0] =	ssyncadd.tile.s32 @!p0 $0x1;
	_ =	shalt  }
.Lfunc_end2:
_tile_overlayer_lowered:
.L_overlay_start_2:
0x1c6: {  	(tag) =	ssettag $0x2  }
0x1c7: {  	s0 =	rddreg [dreg:$0x0];
	s2 =	stileid.u32  }
0x1c8: {  	s1 =	rddreg [dreg:$0x1];
	p0 =	sne.s32 s2, $0x0  }
0x1c9: {  	s3 =	rddreg [dreg:$0x2];
	[bflag:$0x3] =	sbarrier.arrive $0xFFFF;
	s2 =	simm.s32 @!p0 $0x1C0F  }
0x1ca: {  	[timem:s3], [sflag:s2] =	dma.local @!p0 [hbm:s0], s1  }
0x1cb: {  	s0 =	simm.s32 @!p0 $0xF  }
0x1cc: {  	_ =	swait.ge @!p0 [sflag:s0], s1  }
0x1cd: {  	s1 =	ssub.s32 @!p0 $0x0, s1;
	[sflag:s0] =	ssyncset.done @!p0 $0x0  }
0x1ce: {  	[sflag:s0] =	ssyncadd.s32 @!p0 s1  }
0x1cf: {  	[bflag:$0x3] =	sbarrier.arrive $0xFFFF  }
0x1d0: {  	_ =	shalt  }

</sc_bundles>
